<compile_context>
chip_gen: v7x
topology: tpu7x:2x2x1
jax: 0.10.2.dev20260603
libtpu: 0.0.44.dev20260713+nightly
codegen_flags: <defaults>
</compile_context>

<pallas_src>
import functools

import jax
import jax.numpy as jnp
import numpy as np
from jax import lax
from jax.experimental import pallas as pl
from jax.experimental.pallas import tpu as pltpu
from jax.experimental.pallas import tpu_sc as plsc

NC = 2
NS = 16
NW = NC * NS
EB = 64

_INTERPRET = False


def _round_up(a, b):
    return (a + b - 1) // b * b


def _block_rows(n, cap=1024):
    for c in (1024, 1000, 512, 500, 256, 250, 128, 125, 64, 50, 25, 16, 8):
        if c <= cap and n % c == 0:
            return c
    return n



def _qkv_body(x_ref, wq_ref, wkv_ref, q_ref, kv_ref):
    xb = x_ref[...]
    q_ref[...] = jnp.dot(xb, wq_ref[...], preferred_element_type=jnp.float32)
    kv_ref[...] = jnp.dot(xb, wkv_ref[...], preferred_element_type=jnp.float32)


def _qkv_project(x_pad, wq_t, wkv_t):
    np_, d = x_pad.shape
    bn = _block_rows(np_)
    return pl.pallas_call(
        _qkv_body,
        grid=(np_ // bn,),
        in_specs=[
            pl.BlockSpec((bn, d), lambda i: (i, 0)),
            pl.BlockSpec((d, d), lambda i: (0, 0)),
            pl.BlockSpec((d, 2 * d), lambda i: (0, 0)),
        ],
        out_specs=[
            pl.BlockSpec((bn, d), lambda i: (i, 0)),
            pl.BlockSpec((bn, 2 * d), lambda i: (i, 0)),
        ],
        out_shape=[
            jax.ShapeDtypeStruct((np_, d), jnp.float32),
            jax.ShapeDtypeStruct((np_, 2 * d), jnp.float32),
        ],
        interpret=_INTERPRET,
    )(x_pad, wq_t, wkv_t)



_GATHER_DN = lax.GatherDimensionNumbers(
    offset_dims=(), collapsed_slice_dims=(0,), start_index_map=(0,))


def _butterfly_sum(v):
    idx = lax.iota(jnp.int32, 16)
    for k in (1, 2, 4, 8):
        perm = jnp.bitwise_xor(idx, k)
        shuf = lax.gather(v, perm[:, None], _GATHER_DN, (1,),
                          mode=lax.GatherScatterMode.PROMISE_IN_BOUNDS)
        v = v + shuf
    return v

def _make_edge_body(d, nbatch, rows_per_tile):
    def _edge_body(q_hbm, kv_hbm, src_hbm, dst_hbm, out_hbm,
                   src_v, dst_v, qbuf, kvbuf, acc, gsem, isem):
        cid = lax.axis_index("c")
        sid = lax.axis_index("s")
        wid = sid * NC + cid

        def zstep(i, c):
            qbuf[i // (d // 16), pl.ds(16 * (i % (d // 16)), 16)] = (
                jnp.zeros((16,), jnp.float32))
            return c

        lax.fori_loop(0, EB * (d // 16), zstep, 0)
        tbase = sid * rows_per_tile
        for c in range(rows_per_tile // EB):
            pltpu.sync_copy(qbuf, acc.at[pl.ds(tbase + c * EB, EB)])

        plsc.subcore_barrier()

        def batch_step(j, carry):
            cp_s = pltpu.async_copy(src_hbm.at[wid, pl.ds(j, 1)], src_v, isem)
            cp_d = pltpu.async_copy(dst_hbm.at[wid, pl.ds(j, 1)], dst_v, isem)
            cp_s.wait()
            cp_d.wait()
            cp_q = pltpu.async_copy(q_hbm.at[dst_v.at[0]], qbuf, gsem)
            cp_kv = pltpu.async_copy(kv_hbm.at[src_v.at[0]], kvbuf, gsem)
            cp_q.wait()
            cp_kv.wait()

            def edge_step(e, carry2):
                dot = jnp.zeros((16,), jnp.float32)
                for i in range(d // 16):
                    qv = qbuf[e, pl.ds(16 * i, 16)]
                    kv = kvbuf[e, pl.ds(16 * i, 16)]
                    dot = dot + qv * kv
                sv = _butterfly_sum(dot)
                alpha = 1.0 / (1.0 + jnp.exp(-sv))
                for i in range(d // 16):
                    vv = kvbuf[e, pl.ds(d + 16 * i, 16)]
                    qbuf[e, pl.ds(16 * i, 16)] = alpha * vv
                return carry2

            lax.fori_loop(0, EB, edge_step, 0, unroll=2)

            pltpu.sync_copy(qbuf, acc.at[dst_v.at[0]], add=True)
            return carry

        lax.fori_loop(0, nbatch, batch_step, 0)

        plsc.subcore_barrier()

        pltpu.sync_copy(acc.at[pl.ds(tbase, rows_per_tile)],
                        out_hbm.at[cid, pl.ds(tbase, rows_per_tile)])

    return _edge_body


@functools.cache
def _make_edge_kernel(np_, d, nbatch):
    rows_per_tile = np_ // NS
    return pl.kernel(
        _make_edge_body(d, nbatch, rows_per_tile),
        out_type=jax.ShapeDtypeStruct((NC, np_, d), jnp.float32),
        mesh=plsc.VectorSubcoreMesh(core_axis_name="c", subcore_axis_name="s",
                                    num_cores=NC, num_subcores=NS),
        scratch_types=[
            pltpu.VMEM((1, EB), jnp.int32),
            pltpu.VMEM((1, EB), jnp.int32),
            pltpu.VMEM((EB, d), jnp.float32),
            pltpu.VMEM((EB, 2 * d), jnp.float32),
            pltpu.VMEM_SHARED((np_, d), jnp.float32),
            pltpu.SemaphoreType.DMA,
            pltpu.SemaphoreType.DMA,
        ],
        interpret=_INTERPRET,
    )



def _fin_body(p0_ref, p1_ref, x_ref, wo_ref, bo_ref, g_ref, b_ref, o_ref):
    s = p0_ref[...] + p1_ref[...]
    out = jnp.dot(s, wo_ref[...], preferred_element_type=jnp.float32)
    h = x_ref[...] + out + bo_ref[...]
    mu = jnp.mean(h, axis=-1, keepdims=True)
    c = h - mu
    var = jnp.mean(c * c, axis=-1, keepdims=True)
    o_ref[...] = c * lax.rsqrt(var + 1e-5) * g_ref[...] + b_ref[...]


def _finalize(p0, p1, x, wo_t, bo, gamma, beta):
    n, d = x.shape
    bn = _block_rows(n)
    return pl.pallas_call(
        _fin_body,
        grid=(n // bn,),
        in_specs=[
            pl.BlockSpec((bn, d), lambda i: (i, 0)),
            pl.BlockSpec((bn, d), lambda i: (i, 0)),
            pl.BlockSpec((bn, d), lambda i: (i, 0)),
            pl.BlockSpec((d, d), lambda i: (0, 0)),
            pl.BlockSpec((1, d), lambda i: (0, 0)),
            pl.BlockSpec((1, d), lambda i: (0, 0)),
            pl.BlockSpec((1, d), lambda i: (0, 0)),
        ],
        out_specs=pl.BlockSpec((bn, d), lambda i: (i, 0)),
        out_shape=jax.ShapeDtypeStruct((n, d), jnp.float32),
        interpret=_INTERPRET,
    )(p0, p1, x, wo_t, bo, gamma, beta)



@jax.jit
def kernel(x, edge_index, Wq, Wk, Wv, Wo, bo, gamma, beta):
    n, d = x.shape
    e = edge_index.shape[1]
    np_ = _round_up(n + 1, NS * EB)
    epw = _round_up(-(-e // NW), EB)
    nbatch = epw // EB

    wq_t = Wq.T * np.float32(1.0 / np.sqrt(d))
    wkv_t = jnp.concatenate([Wk.T, Wv.T], axis=1)
    x_pad = jnp.pad(x, ((0, np_ - n), (0, 0)))

    epad = NW * epw - e
    src_p = jnp.concatenate([edge_index[0], jnp.zeros((epad,), jnp.int32)])
    dst_p = jnp.concatenate([edge_index[1], jnp.full((epad,), n, jnp.int32)])
    src3 = src_p.reshape(NW, nbatch, EB)
    dst3 = dst_p.reshape(NW, nbatch, EB)

    q, kv = _qkv_project(x_pad, wq_t, wkv_t)
    partials = _make_edge_kernel(np_, d, nbatch)(q, kv, src3, dst3)
    return _finalize(partials[0, :n], partials[1, :n], x,
                     Wo.T, bo.reshape(1, d), gamma.reshape(1, d),
                     beta.reshape(1, d))

# --- scband reference (transcript-rebuilt; emitter-appended) ---
"""Pipeline reference for scband-transformer-conv-style-layer-58634893525425 (READ-ONLY COPY).

The authoritative reference and input builder live on the scoring server;
editing this copy changes nothing except your own understanding.
"""

import jax, jax.numpy as jnp
import numpy as np

N = 10000
E = 320000
D = 128


def setup_inputs(seed: int = 0) -> dict:
    key = jax.random.key(seed)
    ks = jax.random.split(key, 9)
    s = 1.0 / np.sqrt(D)
    x = jax.random.normal(ks[0], (N, D), dtype=jnp.float32)
    edge_index = jax.random.randint(ks[1], (2, E), 0, N, dtype=jnp.int32)
    Wq = jax.random.normal(ks[2], (D, D), dtype=jnp.float32) * s
    Wk = jax.random.normal(ks[3], (D, D), dtype=jnp.float32) * s
    Wv = jax.random.normal(ks[4], (D, D), dtype=jnp.float32) * s
    Wo = jax.random.normal(ks[5], (D, D), dtype=jnp.float32) * s
    bo = jnp.zeros((D,), dtype=jnp.float32)
    gamma = jnp.ones((D,), dtype=jnp.float32)
    beta = jnp.zeros((D,), dtype=jnp.float32)
    return {"x": x, "edge_index": edge_index, "Wq": Wq, "Wk": Wk, "Wv": Wv, "Wo": Wo, "bo": bo, "gamma": gamma, "beta": beta}


def _layernorm(h, gamma, beta, eps=1e-5):
    mu = jnp.mean(h, axis=-1, keepdims=True)
    var = jnp.mean((h - mu) ** 2, axis=-1, keepdims=True)
    return (h - mu) / jnp.sqrt(var + eps) * gamma + beta


def reference(x, edge_index, Wq, Wk, Wv, Wo, bo, gamma, beta):
    src = edge_index[0]
    dst = edge_index[1]
    q = jnp.take(x, dst, axis=0) @ Wq.T
    k = jnp.take(x, src, axis=0) @ Wk.T
    v = jnp.take(x, src, axis=0) @ Wv.T
    logits = jnp.sum(q * k, axis=-1, keepdims=True) / np.sqrt(x.shape[-1])
    alpha = jax.nn.sigmoid(logits)
    msg = alpha * v
    out = jax.ops.segment_sum(msg, dst, num_segments=x.shape[0])
    out = out @ Wo.T + bo
    return _layernorm(x + out, gamma, beta)

if __name__ == "__main__":
    import jax
    _d = setup_inputs()
    print(jax.jit(kernel)(*tuple(_d.values())))

</pallas_src>

<mosaic_0001>
#map = affine_map<(d0, d1) -> (0, 0)>
#map1 = affine_map<(d0, d1) -> (0, 0, 0)>
module attributes {stable_mosaic.version = 14 : i64} {
  func.func @_edge_body(%arg0: i32, %arg1: i32, %arg2: memref<10240x128xf32, #tpu.memory_space<hbm>>, %arg3: memref<10240x256xf32, #tpu.memory_space<hbm>>, %arg4: memref<32x157x64xi32, #tpu.memory_space<hbm>>, %arg5: memref<32x157x64xi32, #tpu.memory_space<hbm>>, %arg6: memref<2x10240x128xf32, #tpu.memory_space<hbm>>, %arg7: memref<1x64xi32, #tpu.memory_space<vmem>>, %arg8: memref<1x64xi32, #tpu.memory_space<vmem>>, %arg9: memref<64x128xf32, #tpu.memory_space<vmem>>, %arg10: memref<64x256xf32, #tpu.memory_space<vmem>>, %arg11: memref<10240x128xf32, #tpu.memory_space<vmem_shared>>, %arg12: memref<!tpu.dma_semaphore, #tpu.memory_space<semaphore_mem>>, %arg13: memref<!tpu.dma_semaphore, #tpu.memory_space<semaphore_mem>>) attributes {dimension_semantics = [#tpu.dimension_semantics<core_parallel>, #tpu.dimension_semantics<subcore_parallel>], iteration_bounds = array<i64: 2, 16>, scalar_prefetch = 0 : i64, scratch_operands = 7 : i64, tpu.core_type = #tpu.core_type<sc_vector_subcore>, window_params = [{transform_indices = #map}, {transform_indices = #map}, {transform_indices = #map1}, {transform_indices = #map1}, {transform_indices = #map1}]} {
    %mul3A = arith.constant 2 : i32
    %mul3A_0 = arith.muli %arg1, %mul3A : i32
    %add3A = arith.addi %mul3A_0, %arg0 : i32
    %scan3A = arith.constant 0 : i32
    %scan3A_1 = arith.constant 0 : i32
    %scan3A_2 = arith.constant 512 : i32
    %scan3A_3 = arith.addi %scan3A_1, %scan3A_2 : i32
    %scan3A_4 = arith.constant 1 : i32
    scf.for %scan3A_35 = %scan3A_1 to %scan3A_3 step %scan3A_4  : i32 {
      %broadcast_in_dim3A = arith.constant 0.000000e+00 : f32
      %broadcast_in_dim3A_36 = vector.broadcast %broadcast_in_dim3A : f32 to vector<16xf32>
      %jit3A = arith.constant 8 : i32
      %div3A = arith.divsi %scan3A_35, %jit3A : i32
      %sign3A = arith.constant 0 : i32
      %sign3A_37 = arith.cmpi sgt, %scan3A_35, %sign3A : i32
      %sign3A_38 = arith.extui %sign3A_37 : i1 to i32
      %sign3A_39 = arith.constant 0 : i32
      %sign3A_40 = arith.cmpi slt, %scan3A_35, %sign3A_39 : i32
      %sign3A_41 = arith.extui %sign3A_40 : i1 to i32
      %sign3A_42 = arith.subi %sign3A_38, %sign3A_41 : i32
      %sign3A_43 = arith.constant 0 : i32
      %sign3A_44 = arith.cmpi sgt, %jit3A, %sign3A_43 : i32
      %sign3A_45 = arith.extui %sign3A_44 : i1 to i32
      %sign3A_46 = arith.constant 0 : i32
      %sign3A_47 = arith.cmpi slt, %jit3A, %sign3A_46 : i32
      %sign3A_48 = arith.extui %sign3A_47 : i1 to i32
      %sign3A_49 = arith.subi %sign3A_45, %sign3A_48 : i32
      %ne3A = arith.cmpi ne, %sign3A_42, %sign3A_49 : i32
      %rem3A = arith.remsi %scan3A_35, %jit3A : i32
      %ne3A_50 = arith.constant 0 : i32
      %ne3A_51 = arith.cmpi ne, %rem3A, %ne3A_50 : i32
      %and3A = arith.andi %ne3A, %ne3A_51 : i1
      %sub3A = arith.constant 1 : i32
      %sub3A_52 = arith.subi %div3A, %sub3A : i32
      %select_n3A = arith.select %and3A, %sub3A_52, %div3A : i32
      %jit3A_53 = arith.constant 8 : i32
      %eq3A = arith.constant 0 : i32
      %eq3A_54 = arith.cmpi eq, %jit3A_53, %eq3A : i32
      %jit3A_55 = arith.constant 1 : i32
      %select_n3A_56 = arith.select %eq3A_54, %jit3A_55, %jit3A_53 : i32
      %rem3A_57 = arith.remsi %scan3A_35, %select_n3A_56 : i32
      %ne3A_58 = arith.constant 0 : i32
      %ne3A_59 = arith.cmpi ne, %rem3A_57, %ne3A_58 : i32
      %lt3A = arith.constant 0 : i32
      %lt3A_60 = arith.cmpi slt, %rem3A_57, %lt3A : i32
      %lt3A_61 = arith.constant 0 : i32
      %lt3A_62 = arith.cmpi slt, %select_n3A_56, %lt3A_61 : i32
      %ne3A_63 = arith.xori %lt3A_60, %lt3A_62 : i1
      %and3A_64 = arith.andi %ne3A_63, %ne3A_59 : i1
      %add3A_65 = arith.addi %rem3A_57, %select_n3A_56 : i32
      %select_n3A_66 = arith.select %and3A_64, %add3A_65, %rem3A_57 : i32
      %mul3A_67 = arith.constant 16 : i32
      %mul3A_68 = arith.muli %mul3A_67, %select_n3A_66 : i32
      %swap3A = arith.index_cast %select_n3A : i32 to index
      %swap3A_69 = arith.index_cast %mul3A_68 : i32 to index
      %swap3A_70 = tpu.vector_load %arg9[%swap3A, %swap3A_69] {strides = array<i32>} : memref<64x128xf32, #tpu.memory_space<vmem>>, vector<1x16xf32>,
      %swap3A_71 = vector.shape_cast %swap3A_70 : vector<1x16xf32> to vector<16xf32>
      %swap3A_72 = vector.shape_cast %broadcast_in_dim3A_36 : vector<16xf32> to vector<1x16xf32>
      tpu.vector_store %arg9[%swap3A, %swap3A_69], %swap3A_72 {strides = array<i32>} : memref<64x128xf32, #tpu.memory_space<vmem>>, vector<1x16xf32>,
    }
    %scan3A_5 = arith.constant 512 : i32
    %mul3A_6 = arith.constant 640 : i32
    %mul3A_7 = arith.muli %arg1, %mul3A_6 : i32
    %add3A_8 = arith.constant 0 : i32
    %add3A_9 = arith.addi %mul3A_7, %add3A_8 : i32
    "tpu.region"() ({
      %run_scoped3A = tpu.sem_alloc : memref<!tpu.dma_semaphore, #tpu.memory_space<semaphore_mem>>
      %dma_start3A = arith.constant 0 : i32
      %dma_start3A_35 = tpu.memref_slice %arg11[%add3A_9, %dma_start3A] : memref<10240x128xf32, #tpu.memory_space<vmem_shared>> -> memref<64x128xf32, #tpu.memory_space<vmem_shared>>
      %dma_start3A_36 = arith.constant 0 : i32
      %dma_start3A_37 = tpu.memref_slice %arg11[%add3A_9, %dma_start3A_36] : memref<10240x128xf32, #tpu.memory_space<vmem_shared>> -> memref<64x128xf32, #tpu.memory_space<vmem_shared>>
      tpu.enqueue_dma source(%arg9 : memref<64x128xf32, #tpu.memory_space<vmem>>) target(%dma_start3A_37 : memref<64x128xf32, #tpu.memory_space<vmem_shared>>) target_semaphore(%run_scoped3A : memref<!tpu.dma_semaphore, #tpu.memory_space<semaphore_mem>>)
      %dma_wait3A = arith.constant 0 : i32
      %dma_wait3A_38 = tpu.memref_slice %arg11[%add3A_9, %dma_wait3A] : memref<10240x128xf32, #tpu.memory_space<vmem_shared>> -> memref<64x128xf32, #tpu.memory_space<vmem_shared>>
      %dma_wait3A_39 = arith.constant 0 : i32
      %dma_wait3A_40 = tpu.memref_slice %arg11[%add3A_9, %dma_wait3A_39] : memref<10240x128xf32, #tpu.memory_space<vmem_shared>> -> memref<64x128xf32, #tpu.memory_space<vmem_shared>>
      tpu.wait_dma2 semaphore(%run_scoped3A : memref<!tpu.dma_semaphore, #tpu.memory_space<semaphore_mem>>) src(%arg9 : memref<64x128xf32, #tpu.memory_space<vmem>>) dst(%dma_wait3A_40 : memref<64x128xf32, #tpu.memory_space<vmem_shared>>)
      tpu.yield
    }) : () -> ()
    %add3A_10 = arith.constant 64 : i32
    %add3A_11 = arith.addi %mul3A_7, %add3A_10 : i32
    "tpu.region"() ({
      %run_scoped3A = tpu.sem_alloc : memref<!tpu.dma_semaphore, #tpu.memory_space<semaphore_mem>>
      %dma_start3A = arith.constant 0 : i32
      %dma_start3A_35 = tpu.memref_slice %arg11[%add3A_11, %dma_start3A] : memref<10240x128xf32, #tpu.memory_space<vmem_shared>> -> memref<64x128xf32, #tpu.memory_space<vmem_shared>>
      %dma_start3A_36 = arith.constant 0 : i32
      %dma_start3A_37 = tpu.memref_slice %arg11[%add3A_11, %dma_start3A_36] : memref<10240x128xf32, #tpu.memory_space<vmem_shared>> -> memref<64x128xf32, #tpu.memory_space<vmem_shared>>
      tpu.enqueue_dma source(%arg9 : memref<64x128xf32, #tpu.memory_space<vmem>>) target(%dma_start3A_37 : memref<64x128xf32, #tpu.memory_space<vmem_shared>>) target_semaphore(%run_scoped3A : memref<!tpu.dma_semaphore, #tpu.memory_space<semaphore_mem>>)
      %dma_wait3A = arith.constant 0 : i32
      %dma_wait3A_38 = tpu.memref_slice %arg11[%add3A_11, %dma_wait3A] : memref<10240x128xf32, #tpu.memory_space<vmem_shared>> -> memref<64x128xf32, #tpu.memory_space<vmem_shared>>
      %dma_wait3A_39 = arith.constant 0 : i32
      %dma_wait3A_40 = tpu.memref_slice %arg11[%add3A_11, %dma_wait3A_39] : memref<10240x128xf32, #tpu.memory_space<vmem_shared>> -> memref<64x128xf32, #tpu.memory_space<vmem_shared>>
      tpu.wait_dma2 semaphore(%run_scoped3A : memref<!tpu.dma_semaphore, #tpu.memory_space<semaphore_mem>>) src(%arg9 : memref<64x128xf32, #tpu.memory_space<vmem>>) dst(%dma_wait3A_40 : memref<64x128xf32, #tpu.memory_space<vmem_shared>>)
      tpu.yield
    }) : () -> ()
    %add3A_12 = arith.constant 128 : i32
    %add3A_13 = arith.addi %mul3A_7, %add3A_12 : i32
    "tpu.region"() ({
      %run_scoped3A = tpu.sem_alloc : memref<!tpu.dma_semaphore, #tpu.memory_space<semaphore_mem>>
      %dma_start3A = arith.constant 0 : i32
      %dma_start3A_35 = tpu.memref_slice %arg11[%add3A_13, %dma_start3A] : memref<10240x128xf32, #tpu.memory_space<vmem_shared>> -> memref<64x128xf32, #tpu.memory_space<vmem_shared>>
      %dma_start3A_36 = arith.constant 0 : i32
      %dma_start3A_37 = tpu.memref_slice %arg11[%add3A_13, %dma_start3A_36] : memref<10240x128xf32, #tpu.memory_space<vmem_shared>> -> memref<64x128xf32, #tpu.memory_space<vmem_shared>>
      tpu.enqueue_dma source(%arg9 : memref<64x128xf32, #tpu.memory_space<vmem>>) target(%dma_start3A_37 : memref<64x128xf32, #tpu.memory_space<vmem_shared>>) target_semaphore(%run_scoped3A : memref<!tpu.dma_semaphore, #tpu.memory_space<semaphore_mem>>)
      %dma_wait3A = arith.constant 0 : i32
      %dma_wait3A_38 = tpu.memref_slice %arg11[%add3A_13, %dma_wait3A] : memref<10240x128xf32, #tpu.memory_space<vmem_shared>> -> memref<64x128xf32, #tpu.memory_space<vmem_shared>>
      %dma_wait3A_39 = arith.constant 0 : i32
      %dma_wait3A_40 = tpu.memref_slice %arg11[%add3A_13, %dma_wait3A_39] : memref<10240x128xf32, #tpu.memory_space<vmem_shared>> -> memref<64x128xf32, #tpu.memory_space<vmem_shared>>
      tpu.wait_dma2 semaphore(%run_scoped3A : memref<!tpu.dma_semaphore, #tpu.memory_space<semaphore_mem>>) src(%arg9 : memref<64x128xf32, #tpu.memory_space<vmem>>) dst(%dma_wait3A_40 : memref<64x128xf32, #tpu.memory_space<vmem_shared>>)
      tpu.yield
    }) : () -> ()
    %add3A_14 = arith.constant 192 : i32
    %add3A_15 = arith.addi %mul3A_7, %add3A_14 : i32
    "tpu.region"() ({
      %run_scoped3A = tpu.sem_alloc : memref<!tpu.dma_semaphore, #tpu.memory_space<semaphore_mem>>
      %dma_start3A = arith.constant 0 : i32
      %dma_start3A_35 = tpu.memref_slice %arg11[%add3A_15, %dma_start3A] : memref<10240x128xf32, #tpu.memory_space<vmem_shared>> -> memref<64x128xf32, #tpu.memory_space<vmem_shared>>
      %dma_start3A_36 = arith.constant 0 : i32
      %dma_start3A_37 = tpu.memref_slice %arg11[%add3A_15, %dma_start3A_36] : memref<10240x128xf32, #tpu.memory_space<vmem_shared>> -> memref<64x128xf32, #tpu.memory_space<vmem_shared>>
      tpu.enqueue_dma source(%arg9 : memref<64x128xf32, #tpu.memory_space<vmem>>) target(%dma_start3A_37 : memref<64x128xf32, #tpu.memory_space<vmem_shared>>) target_semaphore(%run_scoped3A : memref<!tpu.dma_semaphore, #tpu.memory_space<semaphore_mem>>)
      %dma_wait3A = arith.constant 0 : i32
      %dma_wait3A_38 = tpu.memref_slice %arg11[%add3A_15, %dma_wait3A] : memref<10240x128xf32, #tpu.memory_space<vmem_shared>> -> memref<64x128xf32, #tpu.memory_space<vmem_shared>>
      %dma_wait3A_39 = arith.constant 0 : i32
      %dma_wait3A_40 = tpu.memref_slice %arg11[%add3A_15, %dma_wait3A_39] : memref<10240x128xf32, #tpu.memory_space<vmem_shared>> -> memref<64x128xf32, #tpu.memory_space<vmem_shared>>
      tpu.wait_dma2 semaphore(%run_scoped3A : memref<!tpu.dma_semaphore, #tpu.memory_space<semaphore_mem>>) src(%arg9 : memref<64x128xf32, #tpu.memory_space<vmem>>) dst(%dma_wait3A_40 : memref<64x128xf32, #tpu.memory_space<vmem_shared>>)
      tpu.yield
    }) : () -> ()
    %add3A_16 = arith.constant 256 : i32
    %add3A_17 = arith.addi %mul3A_7, %add3A_16 : i32
    "tpu.region"() ({
      %run_scoped3A = tpu.sem_alloc : memref<!tpu.dma_semaphore, #tpu.memory_space<semaphore_mem>>
      %dma_start3A = arith.constant 0 : i32
      %dma_start3A_35 = tpu.memref_slice %arg11[%add3A_17, %dma_start3A] : memref<10240x128xf32, #tpu.memory_space<vmem_shared>> -> memref<64x128xf32, #tpu.memory_space<vmem_shared>>
      %dma_start3A_36 = arith.constant 0 : i32
      %dma_start3A_37 = tpu.memref_slice %arg11[%add3A_17, %dma_start3A_36] : memref<10240x128xf32, #tpu.memory_space<vmem_shared>> -> memref<64x128xf32, #tpu.memory_space<vmem_shared>>
      tpu.enqueue_dma source(%arg9 : memref<64x128xf32, #tpu.memory_space<vmem>>) target(%dma_start3A_37 : memref<64x128xf32, #tpu.memory_space<vmem_shared>>) target_semaphore(%run_scoped3A : memref<!tpu.dma_semaphore, #tpu.memory_space<semaphore_mem>>)
      %dma_wait3A = arith.constant 0 : i32
      %dma_wait3A_38 = tpu.memref_slice %arg11[%add3A_17, %dma_wait3A] : memref<10240x128xf32, #tpu.memory_space<vmem_shared>> -> memref<64x128xf32, #tpu.memory_space<vmem_shared>>
      %dma_wait3A_39 = arith.constant 0 : i32
      %dma_wait3A_40 = tpu.memref_slice %arg11[%add3A_17, %dma_wait3A_39] : memref<10240x128xf32, #tpu.memory_space<vmem_shared>> -> memref<64x128xf32, #tpu.memory_space<vmem_shared>>
      tpu.wait_dma2 semaphore(%run_scoped3A : memref<!tpu.dma_semaphore, #tpu.memory_space<semaphore_mem>>) src(%arg9 : memref<64x128xf32, #tpu.memory_space<vmem>>) dst(%dma_wait3A_40 : memref<64x128xf32, #tpu.memory_space<vmem_shared>>)
      tpu.yield
    }) : () -> ()
    %add3A_18 = arith.constant 320 : i32
    %add3A_19 = arith.addi %mul3A_7, %add3A_18 : i32
    "tpu.region"() ({
      %run_scoped3A = tpu.sem_alloc : memref<!tpu.dma_semaphore, #tpu.memory_space<semaphore_mem>>
      %dma_start3A = arith.constant 0 : i32
      %dma_start3A_35 = tpu.memref_slice %arg11[%add3A_19, %dma_start3A] : memref<10240x128xf32, #tpu.memory_space<vmem_shared>> -> memref<64x128xf32, #tpu.memory_space<vmem_shared>>
      %dma_start3A_36 = arith.constant 0 : i32
      %dma_start3A_37 = tpu.memref_slice %arg11[%add3A_19, %dma_start3A_36] : memref<10240x128xf32, #tpu.memory_space<vmem_shared>> -> memref<64x128xf32, #tpu.memory_space<vmem_shared>>
      tpu.enqueue_dma source(%arg9 : memref<64x128xf32, #tpu.memory_space<vmem>>) target(%dma_start3A_37 : memref<64x128xf32, #tpu.memory_space<vmem_shared>>) target_semaphore(%run_scoped3A : memref<!tpu.dma_semaphore, #tpu.memory_space<semaphore_mem>>)
      %dma_wait3A = arith.constant 0 : i32
      %dma_wait3A_38 = tpu.memref_slice %arg11[%add3A_19, %dma_wait3A] : memref<10240x128xf32, #tpu.memory_space<vmem_shared>> -> memref<64x128xf32, #tpu.memory_space<vmem_shared>>
      %dma_wait3A_39 = arith.constant 0 : i32
      %dma_wait3A_40 = tpu.memref_slice %arg11[%add3A_19, %dma_wait3A_39] : memref<10240x128xf32, #tpu.memory_space<vmem_shared>> -> memref<64x128xf32, #tpu.memory_space<vmem_shared>>
      tpu.wait_dma2 semaphore(%run_scoped3A : memref<!tpu.dma_semaphore, #tpu.memory_space<semaphore_mem>>) src(%arg9 : memref<64x128xf32, #tpu.memory_space<vmem>>) dst(%dma_wait3A_40 : memref<64x128xf32, #tpu.memory_space<vmem_shared>>)
      tpu.yield
    }) : () -> ()
    %add3A_20 = arith.constant 384 : i32
    %add3A_21 = arith.addi %mul3A_7, %add3A_20 : i32
    "tpu.region"() ({
      %run_scoped3A = tpu.sem_alloc : memref<!tpu.dma_semaphore, #tpu.memory_space<semaphore_mem>>
      %dma_start3A = arith.constant 0 : i32
      %dma_start3A_35 = tpu.memref_slice %arg11[%add3A_21, %dma_start3A] : memref<10240x128xf32, #tpu.memory_space<vmem_shared>> -> memref<64x128xf32, #tpu.memory_space<vmem_shared>>
      %dma_start3A_36 = arith.constant 0 : i32
      %dma_start3A_37 = tpu.memref_slice %arg11[%add3A_21, %dma_start3A_36] : memref<10240x128xf32, #tpu.memory_space<vmem_shared>> -> memref<64x128xf32, #tpu.memory_space<vmem_shared>>
      tpu.enqueue_dma source(%arg9 : memref<64x128xf32, #tpu.memory_space<vmem>>) target(%dma_start3A_37 : memref<64x128xf32, #tpu.memory_space<vmem_shared>>) target_semaphore(%run_scoped3A : memref<!tpu.dma_semaphore, #tpu.memory_space<semaphore_mem>>)
      %dma_wait3A = arith.constant 0 : i32
      %dma_wait3A_38 = tpu.memref_slice %arg11[%add3A_21, %dma_wait3A] : memref<10240x128xf32, #tpu.memory_space<vmem_shared>> -> memref<64x128xf32, #tpu.memory_space<vmem_shared>>
      %dma_wait3A_39 = arith.constant 0 : i32
      %dma_wait3A_40 = tpu.memref_slice %arg11[%add3A_21, %dma_wait3A_39] : memref<10240x128xf32, #tpu.memory_space<vmem_shared>> -> memref<64x128xf32, #tpu.memory_space<vmem_shared>>
      tpu.wait_dma2 semaphore(%run_scoped3A : memref<!tpu.dma_semaphore, #tpu.memory_space<semaphore_mem>>) src(%arg9 : memref<64x128xf32, #tpu.memory_space<vmem>>) dst(%dma_wait3A_40 : memref<64x128xf32, #tpu.memory_space<vmem_shared>>)
      tpu.yield
    }) : () -> ()
    %add3A_22 = arith.constant 448 : i32
    %add3A_23 = arith.addi %mul3A_7, %add3A_22 : i32
    "tpu.region"() ({
      %run_scoped3A = tpu.sem_alloc : memref<!tpu.dma_semaphore, #tpu.memory_space<semaphore_mem>>
      %dma_start3A = arith.constant 0 : i32
      %dma_start3A_35 = tpu.memref_slice %arg11[%add3A_23, %dma_start3A] : memref<10240x128xf32, #tpu.memory_space<vmem_shared>> -> memref<64x128xf32, #tpu.memory_space<vmem_shared>>
      %dma_start3A_36 = arith.constant 0 : i32
      %dma_start3A_37 = tpu.memref_slice %arg11[%add3A_23, %dma_start3A_36] : memref<10240x128xf32, #tpu.memory_space<vmem_shared>> -> memref<64x128xf32, #tpu.memory_space<vmem_shared>>
      tpu.enqueue_dma source(%arg9 : memref<64x128xf32, #tpu.memory_space<vmem>>) target(%dma_start3A_37 : memref<64x128xf32, #tpu.memory_space<vmem_shared>>) target_semaphore(%run_scoped3A : memref<!tpu.dma_semaphore, #tpu.memory_space<semaphore_mem>>)
      %dma_wait3A = arith.constant 0 : i32
      %dma_wait3A_38 = tpu.memref_slice %arg11[%add3A_23, %dma_wait3A] : memref<10240x128xf32, #tpu.memory_space<vmem_shared>> -> memref<64x128xf32, #tpu.memory_space<vmem_shared>>
      %dma_wait3A_39 = arith.constant 0 : i32
      %dma_wait3A_40 = tpu.memref_slice %arg11[%add3A_23, %dma_wait3A_39] : memref<10240x128xf32, #tpu.memory_space<vmem_shared>> -> memref<64x128xf32, #tpu.memory_space<vmem_shared>>
      tpu.wait_dma2 semaphore(%run_scoped3A : memref<!tpu.dma_semaphore, #tpu.memory_space<semaphore_mem>>) src(%arg9 : memref<64x128xf32, #tpu.memory_space<vmem>>) dst(%dma_wait3A_40 : memref<64x128xf32, #tpu.memory_space<vmem_shared>>)
      tpu.yield
    }) : () -> ()
    %add3A_24 = arith.constant 512 : i32
    %add3A_25 = arith.addi %mul3A_7, %add3A_24 : i32
    "tpu.region"() ({
      %run_scoped3A = tpu.sem_alloc : memref<!tpu.dma_semaphore, #tpu.memory_space<semaphore_mem>>
      %dma_start3A = arith.constant 0 : i32
      %dma_start3A_35 = tpu.memref_slice %arg11[%add3A_25, %dma_start3A] : memref<10240x128xf32, #tpu.memory_space<vmem_shared>> -> memref<64x128xf32, #tpu.memory_space<vmem_shared>>
      %dma_start3A_36 = arith.constant 0 : i32
      %dma_start3A_37 = tpu.memref_slice %arg11[%add3A_25, %dma_start3A_36] : memref<10240x128xf32, #tpu.memory_space<vmem_shared>> -> memref<64x128xf32, #tpu.memory_space<vmem_shared>>
      tpu.enqueue_dma source(%arg9 : memref<64x128xf32, #tpu.memory_space<vmem>>) target(%dma_start3A_37 : memref<64x128xf32, #tpu.memory_space<vmem_shared>>) target_semaphore(%run_scoped3A : memref<!tpu.dma_semaphore, #tpu.memory_space<semaphore_mem>>)
      %dma_wait3A = arith.constant 0 : i32
      %dma_wait3A_38 = tpu.memref_slice %arg11[%add3A_25, %dma_wait3A] : memref<10240x128xf32, #tpu.memory_space<vmem_shared>> -> memref<64x128xf32, #tpu.memory_space<vmem_shared>>
      %dma_wait3A_39 = arith.constant 0 : i32
      %dma_wait3A_40 = tpu.memref_slice %arg11[%add3A_25, %dma_wait3A_39] : memref<10240x128xf32, #tpu.memory_space<vmem_shared>> -> memref<64x128xf32, #tpu.memory_space<vmem_shared>>
      tpu.wait_dma2 semaphore(%run_scoped3A : memref<!tpu.dma_semaphore, #tpu.memory_space<semaphore_mem>>) src(%arg9 : memref<64x128xf32, #tpu.memory_space<vmem>>) dst(%dma_wait3A_40 : memref<64x128xf32, #tpu.memory_space<vmem_shared>>)
      tpu.yield
    }) : () -> ()
    %add3A_26 = arith.constant 576 : i32
    %add3A_27 = arith.addi %mul3A_7, %add3A_26 : i32
    "tpu.region"() ({
      %run_scoped3A = tpu.sem_alloc : memref<!tpu.dma_semaphore, #tpu.memory_space<semaphore_mem>>
      %dma_start3A = arith.constant 0 : i32
      %dma_start3A_35 = tpu.memref_slice %arg11[%add3A_27, %dma_start3A] : memref<10240x128xf32, #tpu.memory_space<vmem_shared>> -> memref<64x128xf32, #tpu.memory_space<vmem_shared>>
      %dma_start3A_36 = arith.constant 0 : i32
      %dma_start3A_37 = tpu.memref_slice %arg11[%add3A_27, %dma_start3A_36] : memref<10240x128xf32, #tpu.memory_space<vmem_shared>> -> memref<64x128xf32, #tpu.memory_space<vmem_shared>>
      tpu.enqueue_dma source(%arg9 : memref<64x128xf32, #tpu.memory_space<vmem>>) target(%dma_start3A_37 : memref<64x128xf32, #tpu.memory_space<vmem_shared>>) target_semaphore(%run_scoped3A : memref<!tpu.dma_semaphore, #tpu.memory_space<semaphore_mem>>)
      %dma_wait3A = arith.constant 0 : i32
      %dma_wait3A_38 = tpu.memref_slice %arg11[%add3A_27, %dma_wait3A] : memref<10240x128xf32, #tpu.memory_space<vmem_shared>> -> memref<64x128xf32, #tpu.memory_space<vmem_shared>>
      %dma_wait3A_39 = arith.constant 0 : i32
      %dma_wait3A_40 = tpu.memref_slice %arg11[%add3A_27, %dma_wait3A_39] : memref<10240x128xf32, #tpu.memory_space<vmem_shared>> -> memref<64x128xf32, #tpu.memory_space<vmem_shared>>
      tpu.wait_dma2 semaphore(%run_scoped3A : memref<!tpu.dma_semaphore, #tpu.memory_space<semaphore_mem>>) src(%arg9 : memref<64x128xf32, #tpu.memory_space<vmem>>) dst(%dma_wait3A_40 : memref<64x128xf32, #tpu.memory_space<vmem_shared>>)
      tpu.yield
    }) : () -> ()
    %barrier3A = arith.constant 0 : index
    tpu.barrier barrier_id(%barrier3A)
    %scan3A_28 = arith.constant 0 : i32
    %scan3A_29 = arith.constant 0 : i32
    %scan3A_30 = arith.constant 157 : i32
    %scan3A_31 = arith.addi %scan3A_29, %scan3A_30 : i32
    %scan3A_32 = arith.constant 1 : i32
    scf.for %scan3A_35 = %scan3A_29 to %scan3A_31 step %scan3A_32  : i32 {
      %dma_start3A = arith.constant 0 : i32
      %dma_start3A_36 = tpu.memref_slice %arg4[%add3A, %scan3A_35, %dma_start3A] : memref<32x157x64xi32, #tpu.memory_space<hbm>> -> memref<1x1x64xi32, #tpu.memory_space<hbm>>
      %dma_start3A_37 = tpu.memref_squeeze %dma_start3A_36 : memref<1x1x64xi32, #tpu.memory_space<hbm>> -> memref<1x64xi32, #tpu.memory_space<hbm>>
      %dma_start3A_38 = arith.constant 0 : i32
      %dma_start3A_39 = tpu.memref_slice %arg4[%add3A, %scan3A_35, %dma_start3A_38] : memref<32x157x64xi32, #tpu.memory_space<hbm>> -> memref<1x1x64xi32, #tpu.memory_space<hbm>>
      %dma_start3A_40 = tpu.memref_squeeze %dma_start3A_39 : memref<1x1x64xi32, #tpu.memory_space<hbm>> -> memref<1x64xi32, #tpu.memory_space<hbm>>
      tpu.enqueue_dma source(%dma_start3A_40 : memref<1x64xi32, #tpu.memory_space<hbm>>) target(%arg7 : memref<1x64xi32, #tpu.memory_space<vmem>>) target_semaphore(%arg13 : memref<!tpu.dma_semaphore, #tpu.memory_space<semaphore_mem>>)
      %dma_start3A_41 = arith.constant 0 : i32
      %dma_start3A_42 = tpu.memref_slice %arg5[%add3A, %scan3A_35, %dma_start3A_41] : memref<32x157x64xi32, #tpu.memory_space<hbm>> -> memref<1x1x64xi32, #tpu.memory_space<hbm>>
      %dma_start3A_43 = tpu.memref_squeeze %dma_start3A_42 : memref<1x1x64xi32, #tpu.memory_space<hbm>> -> memref<1x64xi32, #tpu.memory_space<hbm>>
      %dma_start3A_44 = arith.constant 0 : i32
      %dma_start3A_45 = tpu.memref_slice %arg5[%add3A, %scan3A_35, %dma_start3A_44] : memref<32x157x64xi32, #tpu.memory_space<hbm>> -> memref<1x1x64xi32, #tpu.memory_space<hbm>>
      %dma_start3A_46 = tpu.memref_squeeze %dma_start3A_45 : memref<1x1x64xi32, #tpu.memory_space<hbm>> -> memref<1x64xi32, #tpu.memory_space<hbm>>
      tpu.enqueue_dma source(%dma_start3A_46 : memref<1x64xi32, #tpu.memory_space<hbm>>) target(%arg8 : memref<1x64xi32, #tpu.memory_space<vmem>>) target_semaphore(%arg13 : memref<!tpu.dma_semaphore, #tpu.memory_space<semaphore_mem>>)
      %dma_wait3A = arith.constant 0 : i32
      %dma_wait3A_47 = tpu.memref_slice %arg4[%add3A, %scan3A_35, %dma_wait3A] : memref<32x157x64xi32, #tpu.memory_space<hbm>> -> memref<1x1x64xi32, #tpu.memory_space<hbm>>
      %dma_wait3A_48 = tpu.memref_squeeze %dma_wait3A_47 : memref<1x1x64xi32, #tpu.memory_space<hbm>> -> memref<1x64xi32, #tpu.memory_space<hbm>>
      %dma_wait3A_49 = arith.constant 0 : i32
      %dma_wait3A_50 = tpu.memref_slice %arg4[%add3A, %scan3A_35, %dma_wait3A_49] : memref<32x157x64xi32, #tpu.memory_space<hbm>> -> memref<1x1x64xi32, #tpu.memory_space<hbm>>
      %dma_wait3A_51 = tpu.memref_squeeze %dma_wait3A_50 : memref<1x1x64xi32, #tpu.memory_space<hbm>> -> memref<1x64xi32, #tpu.memory_space<hbm>>
      tpu.wait_dma2 semaphore(%arg13 : memref<!tpu.dma_semaphore, #tpu.memory_space<semaphore_mem>>) src(%dma_wait3A_51 : memref<1x64xi32, #tpu.memory_space<hbm>>) dst(%arg7 : memref<1x64xi32, #tpu.memory_space<vmem>>)
      %dma_wait3A_52 = arith.constant 0 : i32
      %dma_wait3A_53 = tpu.memref_slice %arg5[%add3A, %scan3A_35, %dma_wait3A_52] : memref<32x157x64xi32, #tpu.memory_space<hbm>> -> memref<1x1x64xi32, #tpu.memory_space<hbm>>
      %dma_wait3A_54 = tpu.memref_squeeze %dma_wait3A_53 : memref<1x1x64xi32, #tpu.memory_space<hbm>> -> memref<1x64xi32, #tpu.memory_space<hbm>>
      %dma_wait3A_55 = arith.constant 0 : i32
      %dma_wait3A_56 = tpu.memref_slice %arg5[%add3A, %scan3A_35, %dma_wait3A_55] : memref<32x157x64xi32, #tpu.memory_space<hbm>> -> memref<1x1x64xi32, #tpu.memory_space<hbm>>
      %dma_wait3A_57 = tpu.memref_squeeze %dma_wait3A_56 : memref<1x1x64xi32, #tpu.memory_space<hbm>> -> memref<1x64xi32, #tpu.memory_space<hbm>>
      tpu.wait_dma2 semaphore(%arg13 : memref<!tpu.dma_semaphore, #tpu.memory_space<semaphore_mem>>) src(%dma_wait3A_57 : memref<1x64xi32, #tpu.memory_space<hbm>>) dst(%arg8 : memref<1x64xi32, #tpu.memory_space<vmem>>)
      %dma_start3A_58 = arith.constant 0 : i32
      %dma_start3A_59 = arith.constant 0 : i32
      %dma_start3A_60 = tpu.memref_slice %arg8[%dma_start3A_58, %dma_start3A_59] : memref<1x64xi32, #tpu.memory_space<vmem>> -> memref<1x64xi32, #tpu.memory_space<vmem>>
      %dma_start3A_61 = tpu.memref_squeeze %dma_start3A_60 : memref<1x64xi32, #tpu.memory_space<vmem>> -> memref<64xi32, #tpu.memory_space<vmem>>
      %dma_start3A_62 = arith.constant 0 : i32
      %dma_start3A_63 = arith.constant 0 : i32
      %dma_start3A_64 = tpu.memref_slice %arg2[%dma_start3A_62, %dma_start3A_63] : memref<10240x128xf32, #tpu.memory_space<hbm>> -> memref<10240x128xf32, #tpu.memory_space<hbm>>
      tpu.enqueue_indirect_dma source(%dma_start3A_64 : memref<10240x128xf32, #tpu.memory_space<hbm>>) target(%arg9 : memref<64x128xf32, #tpu.memory_space<vmem>>) offsets(%dma_start3A_61 : memref<64xi32, #tpu.memory_space<vmem>>) semaphore(%arg12 : memref<!tpu.dma_semaphore, #tpu.memory_space<semaphore_mem>>)
      %dma_start3A_65 = arith.constant 0 : i32
      %dma_start3A_66 = arith.constant 0 : i32
      %dma_start3A_67 = tpu.memref_slice %arg7[%dma_start3A_65, %dma_start3A_66] : memref<1x64xi32, #tpu.memory_space<vmem>> -> memref<1x64xi32, #tpu.memory_space<vmem>>
      %dma_start3A_68 = tpu.memref_squeeze %dma_start3A_67 : memref<1x64xi32, #tpu.memory_space<vmem>> -> memref<64xi32, #tpu.memory_space<vmem>>
      %dma_start3A_69 = arith.constant 0 : i32
      %dma_start3A_70 = arith.constant 0 : i32
      %dma_start3A_71 = tpu.memref_slice %arg3[%dma_start3A_69, %dma_start3A_70] : memref<10240x256xf32, #tpu.memory_space<hbm>> -> memref<10240x256xf32, #tpu.memory_space<hbm>>
      tpu.enqueue_indirect_dma source(%dma_start3A_71 : memref<10240x256xf32, #tpu.memory_space<hbm>>) target(%arg10 : memref<64x256xf32, #tpu.memory_space<vmem>>) offsets(%dma_start3A_68 : memref<64xi32, #tpu.memory_space<vmem>>) semaphore(%arg12 : memref<!tpu.dma_semaphore, #tpu.memory_space<semaphore_mem>>)
      %dma_wait3A_72 = arith.constant 0 : i32
      %dma_wait3A_73 = arith.constant 0 : i32
      %dma_wait3A_74 = tpu.memref_slice %arg8[%dma_wait3A_72, %dma_wait3A_73] : memref<1x64xi32, #tpu.memory_space<vmem>> -> memref<1x64xi32, #tpu.memory_space<vmem>>
      %dma_wait3A_75 = tpu.memref_squeeze %dma_wait3A_74 : memref<1x64xi32, #tpu.memory_space<vmem>> -> memref<64xi32, #tpu.memory_space<vmem>>
      %dma_wait3A_76 = arith.constant 0 : i32
      %dma_wait3A_77 = arith.constant 0 : i32
      %dma_wait3A_78 = tpu.memref_slice %arg2[%dma_wait3A_76, %dma_wait3A_77] : memref<10240x128xf32, #tpu.memory_space<hbm>> -> memref<10240x128xf32, #tpu.memory_space<hbm>>
      tpu.wait_indirect_dma semaphore(%arg12 : memref<!tpu.dma_semaphore, #tpu.memory_space<semaphore_mem>>) src(%dma_wait3A_78 : memref<10240x128xf32, #tpu.memory_space<hbm>>) dst(%arg9 : memref<64x128xf32, #tpu.memory_space<vmem>>)
      %dma_wait3A_79 = arith.constant 0 : i32
      %dma_wait3A_80 = arith.constant 0 : i32
      %dma_wait3A_81 = tpu.memref_slice %arg7[%dma_wait3A_79, %dma_wait3A_80] : memref<1x64xi32, #tpu.memory_space<vmem>> -> memref<1x64xi32, #tpu.memory_space<vmem>>
      %dma_wait3A_82 = tpu.memref_squeeze %dma_wait3A_81 : memref<1x64xi32, #tpu.memory_space<vmem>> -> memref<64xi32, #tpu.memory_space<vmem>>
      %dma_wait3A_83 = arith.constant 0 : i32
      %dma_wait3A_84 = arith.constant 0 : i32
      %dma_wait3A_85 = tpu.memref_slice %arg3[%dma_wait3A_83, %dma_wait3A_84] : memref<10240x256xf32, #tpu.memory_space<hbm>> -> memref<10240x256xf32, #tpu.memory_space<hbm>>
      tpu.wait_indirect_dma semaphore(%arg12 : memref<!tpu.dma_semaphore, #tpu.memory_space<semaphore_mem>>) src(%dma_wait3A_85 : memref<10240x256xf32, #tpu.memory_space<hbm>>) dst(%arg10 : memref<64x256xf32, #tpu.memory_space<vmem>>)
      %scan3A_86 = arith.constant 0 : i32
      %scan3A_87 = arith.constant 0 : i32
      %scan3A_88 = arith.constant 64 : i32
      %scan3A_89 = arith.addi %scan3A_87, %scan3A_88 : i32
      %scan3A_90 = arith.constant 2 : i32
      scf.for %scan3A_92 = %scan3A_87 to %scan3A_89 step %scan3A_90  : i32 {
        %broadcast_in_dim3A = arith.constant 0.000000e+00 : f32
        %broadcast_in_dim3A_93 = vector.broadcast %broadcast_in_dim3A : f32 to vector<16xf32>
        %get3A = arith.index_cast %scan3A_92 : i32 to index
        %get3A_94 = arith.constant 0 : index
        %get3A_95 = tpu.vector_load %arg9[%get3A, %get3A_94] {strides = array<i32>} : memref<64x128xf32, #tpu.memory_space<vmem>>, vector<1x16xf32>,
        %get3A_96 = vector.shape_cast %get3A_95 : vector<1x16xf32> to vector<16xf32>
        %get3A_97 = arith.index_cast %scan3A_92 : i32 to index
        %get3A_98 = arith.constant 0 : index
        %get3A_99 = tpu.vector_load %arg10[%get3A_97, %get3A_98] {strides = array<i32>} : memref<64x256xf32, #tpu.memory_space<vmem>>, vector<1x16xf32>,
        %get3A_100 = vector.shape_cast %get3A_99 : vector<1x16xf32> to vector<16xf32>
        %mul3A_101 = arith.mulf %get3A_96, %get3A_100 : vector<16xf32>
        %add3A_102 = arith.addf %broadcast_in_dim3A_93, %mul3A_101 : vector<16xf32>
        %get3A_103 = arith.index_cast %scan3A_92 : i32 to index
        %get3A_104 = arith.constant 16 : index
        %get3A_105 = tpu.vector_load %arg9[%get3A_103, %get3A_104] {strides = array<i32>} : memref<64x128xf32, #tpu.memory_space<vmem>>, vector<1x16xf32>,
        %get3A_106 = vector.shape_cast %get3A_105 : vector<1x16xf32> to vector<16xf32>
        %get3A_107 = arith.index_cast %scan3A_92 : i32 to index
        %get3A_108 = arith.constant 16 : index
        %get3A_109 = tpu.vector_load %arg10[%get3A_107, %get3A_108] {strides = array<i32>} : memref<64x256xf32, #tpu.memory_space<vmem>>, vector<1x16xf32>,
        %get3A_110 = vector.shape_cast %get3A_109 : vector<1x16xf32> to vector<16xf32>
        %mul3A_111 = arith.mulf %get3A_106, %get3A_110 : vector<16xf32>
        %add3A_112 = arith.addf %add3A_102, %mul3A_111 : vector<16xf32>
        %get3A_113 = arith.index_cast %scan3A_92 : i32 to index
        %get3A_114 = arith.constant 32 : index
        %get3A_115 = tpu.vector_load %arg9[%get3A_113, %get3A_114] {strides = array<i32>} : memref<64x128xf32, #tpu.memory_space<vmem>>, vector<1x16xf32>,
        %get3A_116 = vector.shape_cast %get3A_115 : vector<1x16xf32> to vector<16xf32>
        %get3A_117 = arith.index_cast %scan3A_92 : i32 to index
        %get3A_118 = arith.constant 32 : index
        %get3A_119 = tpu.vector_load %arg10[%get3A_117, %get3A_118] {strides = array<i32>} : memref<64x256xf32, #tpu.memory_space<vmem>>, vector<1x16xf32>,
        %get3A_120 = vector.shape_cast %get3A_119 : vector<1x16xf32> to vector<16xf32>
        %mul3A_121 = arith.mulf %get3A_116, %get3A_120 : vector<16xf32>
        %add3A_122 = arith.addf %add3A_112, %mul3A_121 : vector<16xf32>
        %get3A_123 = arith.index_cast %scan3A_92 : i32 to index
        %get3A_124 = arith.constant 48 : index
        %get3A_125 = tpu.vector_load %arg9[%get3A_123, %get3A_124] {strides = array<i32>} : memref<64x128xf32, #tpu.memory_space<vmem>>, vector<1x16xf32>,
        %get3A_126 = vector.shape_cast %get3A_125 : vector<1x16xf32> to vector<16xf32>
        %get3A_127 = arith.index_cast %scan3A_92 : i32 to index
        %get3A_128 = arith.constant 48 : index
        %get3A_129 = tpu.vector_load %arg10[%get3A_127, %get3A_128] {strides = array<i32>} : memref<64x256xf32, #tpu.memory_space<vmem>>, vector<1x16xf32>,
        %get3A_130 = vector.shape_cast %get3A_129 : vector<1x16xf32> to vector<16xf32>
        %mul3A_131 = arith.mulf %get3A_126, %get3A_130 : vector<16xf32>
        %add3A_132 = arith.addf %add3A_122, %mul3A_131 : vector<16xf32>
        %get3A_133 = arith.index_cast %scan3A_92 : i32 to index
        %get3A_134 = arith.constant 64 : index
        %get3A_135 = tpu.vector_load %arg9[%get3A_133, %get3A_134] {strides = array<i32>} : memref<64x128xf32, #tpu.memory_space<vmem>>, vector<1x16xf32>,
        %get3A_136 = vector.shape_cast %get3A_135 : vector<1x16xf32> to vector<16xf32>
        %get3A_137 = arith.index_cast %scan3A_92 : i32 to index
        %get3A_138 = arith.constant 64 : index
        %get3A_139 = tpu.vector_load %arg10[%get3A_137, %get3A_138] {strides = array<i32>} : memref<64x256xf32, #tpu.memory_space<vmem>>, vector<1x16xf32>,
        %get3A_140 = vector.shape_cast %get3A_139 : vector<1x16xf32> to vector<16xf32>
        %mul3A_141 = arith.mulf %get3A_136, %get3A_140 : vector<16xf32>
        %add3A_142 = arith.addf %add3A_132, %mul3A_141 : vector<16xf32>
        %get3A_143 = arith.index_cast %scan3A_92 : i32 to index
        %get3A_144 = arith.constant 80 : index
        %get3A_145 = tpu.vector_load %arg9[%get3A_143, %get3A_144] {strides = array<i32>} : memref<64x128xf32, #tpu.memory_space<vmem>>, vector<1x16xf32>,
        %get3A_146 = vector.shape_cast %get3A_145 : vector<1x16xf32> to vector<16xf32>
        %get3A_147 = arith.index_cast %scan3A_92 : i32 to index
        %get3A_148 = arith.constant 80 : index
        %get3A_149 = tpu.vector_load %arg10[%get3A_147, %get3A_148] {strides = array<i32>} : memref<64x256xf32, #tpu.memory_space<vmem>>, vector<1x16xf32>,
        %get3A_150 = vector.shape_cast %get3A_149 : vector<1x16xf32> to vector<16xf32>
        %mul3A_151 = arith.mulf %get3A_146, %get3A_150 : vector<16xf32>
        %add3A_152 = arith.addf %add3A_142, %mul3A_151 : vector<16xf32>
        %get3A_153 = arith.index_cast %scan3A_92 : i32 to index
        %get3A_154 = arith.constant 96 : index
        %get3A_155 = tpu.vector_load %arg9[%get3A_153, %get3A_154] {strides = array<i32>} : memref<64x128xf32, #tpu.memory_space<vmem>>, vector<1x16xf32>,
        %get3A_156 = vector.shape_cast %get3A_155 : vector<1x16xf32> to vector<16xf32>
        %get3A_157 = arith.index_cast %scan3A_92 : i32 to index
        %get3A_158 = arith.constant 96 : index
        %get3A_159 = tpu.vector_load %arg10[%get3A_157, %get3A_158] {strides = array<i32>} : memref<64x256xf32, #tpu.memory_space<vmem>>, vector<1x16xf32>,
        %get3A_160 = vector.shape_cast %get3A_159 : vector<1x16xf32> to vector<16xf32>
        %mul3A_161 = arith.mulf %get3A_156, %get3A_160 : vector<16xf32>
        %add3A_162 = arith.addf %add3A_152, %mul3A_161 : vector<16xf32>
        %get3A_163 = arith.index_cast %scan3A_92 : i32 to index
        %get3A_164 = arith.constant 112 : index
        %get3A_165 = tpu.vector_load %arg9[%get3A_163, %get3A_164] {strides = array<i32>} : memref<64x128xf32, #tpu.memory_space<vmem>>, vector<1x16xf32>,
        %get3A_166 = vector.shape_cast %get3A_165 : vector<1x16xf32> to vector<16xf32>
        %get3A_167 = arith.index_cast %scan3A_92 : i32 to index
        %get3A_168 = arith.constant 112 : index
        %get3A_169 = tpu.vector_load %arg10[%get3A_167, %get3A_168] {strides = array<i32>} : memref<64x256xf32, #tpu.memory_space<vmem>>, vector<1x16xf32>,
        %get3A_170 = vector.shape_cast %get3A_169 : vector<1x16xf32> to vector<16xf32>
        %mul3A_171 = arith.mulf %get3A_166, %get3A_170 : vector<16xf32>
        %add3A_172 = arith.addf %add3A_162, %mul3A_171 : vector<16xf32>
        %iota3A = tpu.iota {dimensions = array<i32: 0>} : vector<16xi32>
        %xor3A = arith.constant 1 : i32
        %xor3A_173 = vector.broadcast %xor3A : i32 to vector<16xi32>
        %xor3A_174 = arith.xori %iota3A, %xor3A_173 : vector<16xi32>
        %broadcast_in_dim3A_175 = vector.shape_cast %xor3A_174 : vector<16xi32> to vector<16x1xi32>
        %gather3A = vector.shape_cast %broadcast_in_dim3A_175 : vector<16x1xi32> to vector<16xi32>
        %gather3A_176 = tpu.dynamic_gather %add3A_172[%gather3A] in [0] : vector<16xf32>, vector<16xi32> -> vector<16xf32>
        %add3A_177 = arith.addf %add3A_172, %gather3A_176 : vector<16xf32>
        %xor3A_178 = arith.constant 2 : i32
        %xor3A_179 = vector.broadcast %xor3A_178 : i32 to vector<16xi32>
        %xor3A_180 = arith.xori %iota3A, %xor3A_179 : vector<16xi32>
        %broadcast_in_dim3A_181 = vector.shape_cast %xor3A_180 : vector<16xi32> to vector<16x1xi32>
        %gather3A_182 = vector.shape_cast %broadcast_in_dim3A_181 : vector<16x1xi32> to vector<16xi32>
        %gather3A_183 = tpu.dynamic_gather %add3A_177[%gather3A_182] in [0] : vector<16xf32>, vector<16xi32> -> vector<16xf32>
        %add3A_184 = arith.addf %add3A_177, %gather3A_183 : vector<16xf32>
        %xor3A_185 = arith.constant 4 : i32
        %xor3A_186 = vector.broadcast %xor3A_185 : i32 to vector<16xi32>
        %xor3A_187 = arith.xori %iota3A, %xor3A_186 : vector<16xi32>
        %broadcast_in_dim3A_188 = vector.shape_cast %xor3A_187 : vector<16xi32> to vector<16x1xi32>
        %gather3A_189 = vector.shape_cast %broadcast_in_dim3A_188 : vector<16x1xi32> to vector<16xi32>
        %gather3A_190 = tpu.dynamic_gather %add3A_184[%gather3A_189] in [0] : vector<16xf32>, vector<16xi32> -> vector<16xf32>
        %add3A_191 = arith.addf %add3A_184, %gather3A_190 : vector<16xf32>
        %xor3A_192 = arith.constant 8 : i32
        %xor3A_193 = vector.broadcast %xor3A_192 : i32 to vector<16xi32>
        %xor3A_194 = arith.xori %iota3A, %xor3A_193 : vector<16xi32>
        %broadcast_in_dim3A_195 = vector.shape_cast %xor3A_194 : vector<16xi32> to vector<16x1xi32>
        %gather3A_196 = vector.shape_cast %broadcast_in_dim3A_195 : vector<16x1xi32> to vector<16xi32>
        %gather3A_197 = tpu.dynamic_gather %add3A_191[%gather3A_196] in [0] : vector<16xf32>, vector<16xi32> -> vector<16xf32>
        %add3A_198 = arith.addf %add3A_191, %gather3A_197 : vector<16xf32>
        %neg3A = arith.constant 0.000000e+00 : f32
        %neg3A_199 = vector.broadcast %neg3A : f32 to vector<16xf32>
        %neg3A_200 = arith.subf %neg3A_199, %add3A_198 : vector<16xf32>
        %exp3A = math.exp %neg3A_200 : vector<16xf32>
        %add3A_201 = arith.constant 1.000000e+00 : f32
        %add3A_202 = vector.broadcast %add3A_201 : f32 to vector<16xf32>
        %add3A_203 = arith.addf %add3A_202, %exp3A : vector<16xf32>
        %div3A = arith.constant 1.000000e+00 : f32
        %div3A_204 = vector.broadcast %div3A : f32 to vector<16xf32>
        %div3A_205 = arith.divf %div3A_204, %add3A_203 : vector<16xf32>
        %get3A_206 = arith.index_cast %scan3A_92 : i32 to index
        %get3A_207 = arith.constant 128 : index
        %get3A_208 = tpu.vector_load %arg10[%get3A_206, %get3A_207] {strides = array<i32>} : memref<64x256xf32, #tpu.memory_space<vmem>>, vector<1x16xf32>,
        %get3A_209 = vector.shape_cast %get3A_208 : vector<1x16xf32> to vector<16xf32>
        %mul3A_210 = arith.mulf %div3A_205, %get3A_209 : vector<16xf32>
        %swap3A = arith.index_cast %scan3A_92 : i32 to index
        %swap3A_211 = arith.constant 0 : index
        %swap3A_212 = tpu.vector_load %arg9[%swap3A, %swap3A_211] {strides = array<i32>} : memref<64x128xf32, #tpu.memory_space<vmem>>, vector<1x16xf32>,
        %swap3A_213 = vector.shape_cast %swap3A_212 : vector<1x16xf32> to vector<16xf32>
        %swap3A_214 = vector.shape_cast %mul3A_210 : vector<16xf32> to vector<1x16xf32>
        tpu.vector_store %arg9[%swap3A, %swap3A_211], %swap3A_214 {strides = array<i32>} : memref<64x128xf32, #tpu.memory_space<vmem>>, vector<1x16xf32>,
        %get3A_215 = arith.index_cast %scan3A_92 : i32 to index
        %get3A_216 = arith.constant 144 : index
        %get3A_217 = tpu.vector_load %arg10[%get3A_215, %get3A_216] {strides = array<i32>} : memref<64x256xf32, #tpu.memory_space<vmem>>, vector<1x16xf32>,
        %get3A_218 = vector.shape_cast %get3A_217 : vector<1x16xf32> to vector<16xf32>
        %mul3A_219 = arith.mulf %div3A_205, %get3A_218 : vector<16xf32>
        %swap3A_220 = arith.index_cast %scan3A_92 : i32 to index
        %swap3A_221 = arith.constant 16 : index
        %swap3A_222 = tpu.vector_load %arg9[%swap3A_220, %swap3A_221] {strides = array<i32>} : memref<64x128xf32, #tpu.memory_space<vmem>>, vector<1x16xf32>,
        %swap3A_223 = vector.shape_cast %swap3A_222 : vector<1x16xf32> to vector<16xf32>
        %swap3A_224 = vector.shape_cast %mul3A_219 : vector<16xf32> to vector<1x16xf32>
        tpu.vector_store %arg9[%swap3A_220, %swap3A_221], %swap3A_224 {strides = array<i32>} : memref<64x128xf32, #tpu.memory_space<vmem>>, vector<1x16xf32>,
        %get3A_225 = arith.index_cast %scan3A_92 : i32 to index
        %get3A_226 = arith.constant 160 : index
        %get3A_227 = tpu.vector_load %arg10[%get3A_225, %get3A_226] {strides = array<i32>} : memref<64x256xf32, #tpu.memory_space<vmem>>, vector<1x16xf32>,
        %get3A_228 = vector.shape_cast %get3A_227 : vector<1x16xf32> to vector<16xf32>
        %mul3A_229 = arith.mulf %div3A_205, %get3A_228 : vector<16xf32>
        %swap3A_230 = arith.index_cast %scan3A_92 : i32 to index
        %swap3A_231 = arith.constant 32 : index
        %swap3A_232 = tpu.vector_load %arg9[%swap3A_230, %swap3A_231] {strides = array<i32>} : memref<64x128xf32, #tpu.memory_space<vmem>>, vector<1x16xf32>,
        %swap3A_233 = vector.shape_cast %swap3A_232 : vector<1x16xf32> to vector<16xf32>
        %swap3A_234 = vector.shape_cast %mul3A_229 : vector<16xf32> to vector<1x16xf32>
        tpu.vector_store %arg9[%swap3A_230, %swap3A_231], %swap3A_234 {strides = array<i32>} : memref<64x128xf32, #tpu.memory_space<vmem>>, vector<1x16xf32>,
        %get3A_235 = arith.index_cast %scan3A_92 : i32 to index
        %get3A_236 = arith.constant 176 : index
        %get3A_237 = tpu.vector_load %arg10[%get3A_235, %get3A_236] {strides = array<i32>} : memref<64x256xf32, #tpu.memory_space<vmem>>, vector<1x16xf32>,
        %get3A_238 = vector.shape_cast %get3A_237 : vector<1x16xf32> to vector<16xf32>
        %mul3A_239 = arith.mulf %div3A_205, %get3A_238 : vector<16xf32>
        %swap3A_240 = arith.index_cast %scan3A_92 : i32 to index
        %swap3A_241 = arith.constant 48 : index
        %swap3A_242 = tpu.vector_load %arg9[%swap3A_240, %swap3A_241] {strides = array<i32>} : memref<64x128xf32, #tpu.memory_space<vmem>>, vector<1x16xf32>,
        %swap3A_243 = vector.shape_cast %swap3A_242 : vector<1x16xf32> to vector<16xf32>
        %swap3A_244 = vector.shape_cast %mul3A_239 : vector<16xf32> to vector<1x16xf32>
        tpu.vector_store %arg9[%swap3A_240, %swap3A_241], %swap3A_244 {strides = array<i32>} : memref<64x128xf32, #tpu.memory_space<vmem>>, vector<1x16xf32>,
        %get3A_245 = arith.index_cast %scan3A_92 : i32 to index
        %get3A_246 = arith.constant 192 : index
        %get3A_247 = tpu.vector_load %arg10[%get3A_245, %get3A_246] {strides = array<i32>} : memref<64x256xf32, #tpu.memory_space<vmem>>, vector<1x16xf32>,
        %get3A_248 = vector.shape_cast %get3A_247 : vector<1x16xf32> to vector<16xf32>
        %mul3A_249 = arith.mulf %div3A_205, %get3A_248 : vector<16xf32>
        %swap3A_250 = arith.index_cast %scan3A_92 : i32 to index
        %swap3A_251 = arith.constant 64 : index
        %swap3A_252 = tpu.vector_load %arg9[%swap3A_250, %swap3A_251] {strides = array<i32>} : memref<64x128xf32, #tpu.memory_space<vmem>>, vector<1x16xf32>,
        %swap3A_253 = vector.shape_cast %swap3A_252 : vector<1x16xf32> to vector<16xf32>
        %swap3A_254 = vector.shape_cast %mul3A_249 : vector<16xf32> to vector<1x16xf32>
        tpu.vector_store %arg9[%swap3A_250, %swap3A_251], %swap3A_254 {strides = array<i32>} : memref<64x128xf32, #tpu.memory_space<vmem>>, vector<1x16xf32>,
        %get3A_255 = arith.index_cast %scan3A_92 : i32 to index
        %get3A_256 = arith.constant 208 : index
        %get3A_257 = tpu.vector_load %arg10[%get3A_255, %get3A_256] {strides = array<i32>} : memref<64x256xf32, #tpu.memory_space<vmem>>, vector<1x16xf32>,
        %get3A_258 = vector.shape_cast %get3A_257 : vector<1x16xf32> to vector<16xf32>
        %mul3A_259 = arith.mulf %div3A_205, %get3A_258 : vector<16xf32>
        %swap3A_260 = arith.index_cast %scan3A_92 : i32 to index
        %swap3A_261 = arith.constant 80 : index
        %swap3A_262 = tpu.vector_load %arg9[%swap3A_260, %swap3A_261] {strides = array<i32>} : memref<64x128xf32, #tpu.memory_space<vmem>>, vector<1x16xf32>,
        %swap3A_263 = vector.shape_cast %swap3A_262 : vector<1x16xf32> to vector<16xf32>
        %swap3A_264 = vector.shape_cast %mul3A_259 : vector<16xf32> to vector<1x16xf32>
        tpu.vector_store %arg9[%swap3A_260, %swap3A_261], %swap3A_264 {strides = array<i32>} : memref<64x128xf32, #tpu.memory_space<vmem>>, vector<1x16xf32>,
        %get3A_265 = arith.index_cast %scan3A_92 : i32 to index
        %get3A_266 = arith.constant 224 : index
        %get3A_267 = tpu.vector_load %arg10[%get3A_265, %get3A_266] {strides = array<i32>} : memref<64x256xf32, #tpu.memory_space<vmem>>, vector<1x16xf32>,
        %get3A_268 = vector.shape_cast %get3A_267 : vector<1x16xf32> to vector<16xf32>
        %mul3A_269 = arith.mulf %div3A_205, %get3A_268 : vector<16xf32>
        %swap3A_270 = arith.index_cast %scan3A_92 : i32 to index
        %swap3A_271 = arith.constant 96 : index
        %swap3A_272 = tpu.vector_load %arg9[%swap3A_270, %swap3A_271] {strides = array<i32>} : memref<64x128xf32, #tpu.memory_space<vmem>>, vector<1x16xf32>,
        %swap3A_273 = vector.shape_cast %swap3A_272 : vector<1x16xf32> to vector<16xf32>
        %swap3A_274 = vector.shape_cast %mul3A_269 : vector<16xf32> to vector<1x16xf32>
        tpu.vector_store %arg9[%swap3A_270, %swap3A_271], %swap3A_274 {strides = array<i32>} : memref<64x128xf32, #tpu.memory_space<vmem>>, vector<1x16xf32>,
        %get3A_275 = arith.index_cast %scan3A_92 : i32 to index
        %get3A_276 = arith.constant 240 : index
        %get3A_277 = tpu.vector_load %arg10[%get3A_275, %get3A_276] {strides = array<i32>} : memref<64x256xf32, #tpu.memory_space<vmem>>, vector<1x16xf32>,
        %get3A_278 = vector.shape_cast %get3A_277 : vector<1x16xf32> to vector<16xf32>
        %mul3A_279 = arith.mulf %div3A_205, %get3A_278 : vector<16xf32>
        %swap3A_280 = arith.index_cast %scan3A_92 : i32 to index
        %swap3A_281 = arith.constant 112 : index
        %swap3A_282 = tpu.vector_load %arg9[%swap3A_280, %swap3A_281] {strides = array<i32>} : memref<64x128xf32, #tpu.memory_space<vmem>>, vector<1x16xf32>,
        %swap3A_283 = vector.shape_cast %swap3A_282 : vector<1x16xf32> to vector<16xf32>
        %swap3A_284 = vector.shape_cast %mul3A_279 : vector<16xf32> to vector<1x16xf32>
        tpu.vector_store %arg9[%swap3A_280, %swap3A_281], %swap3A_284 {strides = array<i32>} : memref<64x128xf32, #tpu.memory_space<vmem>>, vector<1x16xf32>,
        %scan3A_285 = arith.constant 1 : i32
        %scan3A_286 = arith.addi %scan3A_92, %scan3A_285 : i32
        %broadcast_in_dim3A_287 = arith.constant 0.000000e+00 : f32
        %broadcast_in_dim3A_288 = vector.broadcast %broadcast_in_dim3A_287 : f32 to vector<16xf32>
        %get3A_289 = arith.index_cast %scan3A_286 : i32 to index
        %get3A_290 = arith.constant 0 : index
        %get3A_291 = tpu.vector_load %arg9[%get3A_289, %get3A_290] {strides = array<i32>} : memref<64x128xf32, #tpu.memory_space<vmem>>, vector<1x16xf32>,
        %get3A_292 = vector.shape_cast %get3A_291 : vector<1x16xf32> to vector<16xf32>
        %get3A_293 = arith.index_cast %scan3A_286 : i32 to index
        %get3A_294 = arith.constant 0 : index
        %get3A_295 = tpu.vector_load %arg10[%get3A_293, %get3A_294] {strides = array<i32>} : memref<64x256xf32, #tpu.memory_space<vmem>>, vector<1x16xf32>,
        %get3A_296 = vector.shape_cast %get3A_295 : vector<1x16xf32> to vector<16xf32>
        %mul3A_297 = arith.mulf %get3A_292, %get3A_296 : vector<16xf32>
        %add3A_298 = arith.addf %broadcast_in_dim3A_288, %mul3A_297 : vector<16xf32>
        %get3A_299 = arith.index_cast %scan3A_286 : i32 to index
        %get3A_300 = arith.constant 16 : index
        %get3A_301 = tpu.vector_load %arg9[%get3A_299, %get3A_300] {strides = array<i32>} : memref<64x128xf32, #tpu.memory_space<vmem>>, vector<1x16xf32>,
        %get3A_302 = vector.shape_cast %get3A_301 : vector<1x16xf32> to vector<16xf32>
        %get3A_303 = arith.index_cast %scan3A_286 : i32 to index
        %get3A_304 = arith.constant 16 : index
        %get3A_305 = tpu.vector_load %arg10[%get3A_303, %get3A_304] {strides = array<i32>} : memref<64x256xf32, #tpu.memory_space<vmem>>, vector<1x16xf32>,
        %get3A_306 = vector.shape_cast %get3A_305 : vector<1x16xf32> to vector<16xf32>
        %mul3A_307 = arith.mulf %get3A_302, %get3A_306 : vector<16xf32>
        %add3A_308 = arith.addf %add3A_298, %mul3A_307 : vector<16xf32>
        %get3A_309 = arith.index_cast %scan3A_286 : i32 to index
        %get3A_310 = arith.constant 32 : index
        %get3A_311 = tpu.vector_load %arg9[%get3A_309, %get3A_310] {strides = array<i32>} : memref<64x128xf32, #tpu.memory_space<vmem>>, vector<1x16xf32>,
        %get3A_312 = vector.shape_cast %get3A_311 : vector<1x16xf32> to vector<16xf32>
        %get3A_313 = arith.index_cast %scan3A_286 : i32 to index
        %get3A_314 = arith.constant 32 : index
        %get3A_315 = tpu.vector_load %arg10[%get3A_313, %get3A_314] {strides = array<i32>} : memref<64x256xf32, #tpu.memory_space<vmem>>, vector<1x16xf32>,
        %get3A_316 = vector.shape_cast %get3A_315 : vector<1x16xf32> to vector<16xf32>
        %mul3A_317 = arith.mulf %get3A_312, %get3A_316 : vector<16xf32>
        %add3A_318 = arith.addf %add3A_308, %mul3A_317 : vector<16xf32>
        %get3A_319 = arith.index_cast %scan3A_286 : i32 to index
        %get3A_320 = arith.constant 48 : index
        %get3A_321 = tpu.vector_load %arg9[%get3A_319, %get3A_320] {strides = array<i32>} : memref<64x128xf32, #tpu.memory_space<vmem>>, vector<1x16xf32>,
        %get3A_322 = vector.shape_cast %get3A_321 : vector<1x16xf32> to vector<16xf32>
        %get3A_323 = arith.index_cast %scan3A_286 : i32 to index
        %get3A_324 = arith.constant 48 : index
        %get3A_325 = tpu.vector_load %arg10[%get3A_323, %get3A_324] {strides = array<i32>} : memref<64x256xf32, #tpu.memory_space<vmem>>, vector<1x16xf32>,
        %get3A_326 = vector.shape_cast %get3A_325 : vector<1x16xf32> to vector<16xf32>
        %mul3A_327 = arith.mulf %get3A_322, %get3A_326 : vector<16xf32>
        %add3A_328 = arith.addf %add3A_318, %mul3A_327 : vector<16xf32>
        %get3A_329 = arith.index_cast %scan3A_286 : i32 to index
        %get3A_330 = arith.constant 64 : index
        %get3A_331 = tpu.vector_load %arg9[%get3A_329, %get3A_330] {strides = array<i32>} : memref<64x128xf32, #tpu.memory_space<vmem>>, vector<1x16xf32>,
        %get3A_332 = vector.shape_cast %get3A_331 : vector<1x16xf32> to vector<16xf32>
        %get3A_333 = arith.index_cast %scan3A_286 : i32 to index
        %get3A_334 = arith.constant 64 : index
        %get3A_335 = tpu.vector_load %arg10[%get3A_333, %get3A_334] {strides = array<i32>} : memref<64x256xf32, #tpu.memory_space<vmem>>, vector<1x16xf32>,
        %get3A_336 = vector.shape_cast %get3A_335 : vector<1x16xf32> to vector<16xf32>
        %mul3A_337 = arith.mulf %get3A_332, %get3A_336 : vector<16xf32>
        %add3A_338 = arith.addf %add3A_328, %mul3A_337 : vector<16xf32>
        %get3A_339 = arith.index_cast %scan3A_286 : i32 to index
        %get3A_340 = arith.constant 80 : index
        %get3A_341 = tpu.vector_load %arg9[%get3A_339, %get3A_340] {strides = array<i32>} : memref<64x128xf32, #tpu.memory_space<vmem>>, vector<1x16xf32>,
        %get3A_342 = vector.shape_cast %get3A_341 : vector<1x16xf32> to vector<16xf32>
        %get3A_343 = arith.index_cast %scan3A_286 : i32 to index
        %get3A_344 = arith.constant 80 : index
        %get3A_345 = tpu.vector_load %arg10[%get3A_343, %get3A_344] {strides = array<i32>} : memref<64x256xf32, #tpu.memory_space<vmem>>, vector<1x16xf32>,
        %get3A_346 = vector.shape_cast %get3A_345 : vector<1x16xf32> to vector<16xf32>
        %mul3A_347 = arith.mulf %get3A_342, %get3A_346 : vector<16xf32>
        %add3A_348 = arith.addf %add3A_338, %mul3A_347 : vector<16xf32>
        %get3A_349 = arith.index_cast %scan3A_286 : i32 to index
        %get3A_350 = arith.constant 96 : index
        %get3A_351 = tpu.vector_load %arg9[%get3A_349, %get3A_350] {strides = array<i32>} : memref<64x128xf32, #tpu.memory_space<vmem>>, vector<1x16xf32>,
        %get3A_352 = vector.shape_cast %get3A_351 : vector<1x16xf32> to vector<16xf32>
        %get3A_353 = arith.index_cast %scan3A_286 : i32 to index
        %get3A_354 = arith.constant 96 : index
        %get3A_355 = tpu.vector_load %arg10[%get3A_353, %get3A_354] {strides = array<i32>} : memref<64x256xf32, #tpu.memory_space<vmem>>, vector<1x16xf32>,
        %get3A_356 = vector.shape_cast %get3A_355 : vector<1x16xf32> to vector<16xf32>
        %mul3A_357 = arith.mulf %get3A_352, %get3A_356 : vector<16xf32>
        %add3A_358 = arith.addf %add3A_348, %mul3A_357 : vector<16xf32>
        %get3A_359 = arith.index_cast %scan3A_286 : i32 to index
        %get3A_360 = arith.constant 112 : index
        %get3A_361 = tpu.vector_load %arg9[%get3A_359, %get3A_360] {strides = array<i32>} : memref<64x128xf32, #tpu.memory_space<vmem>>, vector<1x16xf32>,
        %get3A_362 = vector.shape_cast %get3A_361 : vector<1x16xf32> to vector<16xf32>
        %get3A_363 = arith.index_cast %scan3A_286 : i32 to index
        %get3A_364 = arith.constant 112 : index
        %get3A_365 = tpu.vector_load %arg10[%get3A_363, %get3A_364] {strides = array<i32>} : memref<64x256xf32, #tpu.memory_space<vmem>>, vector<1x16xf32>,
        %get3A_366 = vector.shape_cast %get3A_365 : vector<1x16xf32> to vector<16xf32>
        %mul3A_367 = arith.mulf %get3A_362, %get3A_366 : vector<16xf32>
        %add3A_368 = arith.addf %add3A_358, %mul3A_367 : vector<16xf32>
        %iota3A_369 = tpu.iota {dimensions = array<i32: 0>} : vector<16xi32>
        %xor3A_370 = arith.constant 1 : i32
        %xor3A_371 = vector.broadcast %xor3A_370 : i32 to vector<16xi32>
        %xor3A_372 = arith.xori %iota3A_369, %xor3A_371 : vector<16xi32>
        %broadcast_in_dim3A_373 = vector.shape_cast %xor3A_372 : vector<16xi32> to vector<16x1xi32>
        %gather3A_374 = vector.shape_cast %broadcast_in_dim3A_373 : vector<16x1xi32> to vector<16xi32>
        %gather3A_375 = tpu.dynamic_gather %add3A_368[%gather3A_374] in [0] : vector<16xf32>, vector<16xi32> -> vector<16xf32>
        %add3A_376 = arith.addf %add3A_368, %gather3A_375 : vector<16xf32>
        %xor3A_377 = arith.constant 2 : i32
        %xor3A_378 = vector.broadcast %xor3A_377 : i32 to vector<16xi32>
        %xor3A_379 = arith.xori %iota3A_369, %xor3A_378 : vector<16xi32>
        %broadcast_in_dim3A_380 = vector.shape_cast %xor3A_379 : vector<16xi32> to vector<16x1xi32>
        %gather3A_381 = vector.shape_cast %broadcast_in_dim3A_380 : vector<16x1xi32> to vector<16xi32>
        %gather3A_382 = tpu.dynamic_gather %add3A_376[%gather3A_381] in [0] : vector<16xf32>, vector<16xi32> -> vector<16xf32>
        %add3A_383 = arith.addf %add3A_376, %gather3A_382 : vector<16xf32>
        %xor3A_384 = arith.constant 4 : i32
        %xor3A_385 = vector.broadcast %xor3A_384 : i32 to vector<16xi32>
        %xor3A_386 = arith.xori %iota3A_369, %xor3A_385 : vector<16xi32>
        %broadcast_in_dim3A_387 = vector.shape_cast %xor3A_386 : vector<16xi32> to vector<16x1xi32>
        %gather3A_388 = vector.shape_cast %broadcast_in_dim3A_387 : vector<16x1xi32> to vector<16xi32>
        %gather3A_389 = tpu.dynamic_gather %add3A_383[%gather3A_388] in [0] : vector<16xf32>, vector<16xi32> -> vector<16xf32>
        %add3A_390 = arith.addf %add3A_383, %gather3A_389 : vector<16xf32>
        %xor3A_391 = arith.constant 8 : i32
        %xor3A_392 = vector.broadcast %xor3A_391 : i32 to vector<16xi32>
        %xor3A_393 = arith.xori %iota3A_369, %xor3A_392 : vector<16xi32>
        %broadcast_in_dim3A_394 = vector.shape_cast %xor3A_393 : vector<16xi32> to vector<16x1xi32>
        %gather3A_395 = vector.shape_cast %broadcast_in_dim3A_394 : vector<16x1xi32> to vector<16xi32>
        %gather3A_396 = tpu.dynamic_gather %add3A_390[%gather3A_395] in [0] : vector<16xf32>, vector<16xi32> -> vector<16xf32>
        %add3A_397 = arith.addf %add3A_390, %gather3A_396 : vector<16xf32>
        %neg3A_398 = arith.constant 0.000000e+00 : f32
        %neg3A_399 = vector.broadcast %neg3A_398 : f32 to vector<16xf32>
        %neg3A_400 = arith.subf %neg3A_399, %add3A_397 : vector<16xf32>
        %exp3A_401 = math.exp %neg3A_400 : vector<16xf32>
        %add3A_402 = arith.constant 1.000000e+00 : f32
        %add3A_403 = vector.broadcast %add3A_402 : f32 to vector<16xf32>
        %add3A_404 = arith.addf %add3A_403, %exp3A_401 : vector<16xf32>
        %div3A_405 = arith.constant 1.000000e+00 : f32
        %div3A_406 = vector.broadcast %div3A_405 : f32 to vector<16xf32>
        %div3A_407 = arith.divf %div3A_406, %add3A_404 : vector<16xf32>
        %get3A_408 = arith.index_cast %scan3A_286 : i32 to index
        %get3A_409 = arith.constant 128 : index
        %get3A_410 = tpu.vector_load %arg10[%get3A_408, %get3A_409] {strides = array<i32>} : memref<64x256xf32, #tpu.memory_space<vmem>>, vector<1x16xf32>,
        %get3A_411 = vector.shape_cast %get3A_410 : vector<1x16xf32> to vector<16xf32>
        %mul3A_412 = arith.mulf %div3A_407, %get3A_411 : vector<16xf32>
        %swap3A_413 = arith.index_cast %scan3A_286 : i32 to index
        %swap3A_414 = arith.constant 0 : index
        %swap3A_415 = tpu.vector_load %arg9[%swap3A_413, %swap3A_414] {strides = array<i32>} : memref<64x128xf32, #tpu.memory_space<vmem>>, vector<1x16xf32>,
        %swap3A_416 = vector.shape_cast %swap3A_415 : vector<1x16xf32> to vector<16xf32>
        %swap3A_417 = vector.shape_cast %mul3A_412 : vector<16xf32> to vector<1x16xf32>
        tpu.vector_store %arg9[%swap3A_413, %swap3A_414], %swap3A_417 {strides = array<i32>} : memref<64x128xf32, #tpu.memory_space<vmem>>, vector<1x16xf32>,
        %get3A_418 = arith.index_cast %scan3A_286 : i32 to index
        %get3A_419 = arith.constant 144 : index
        %get3A_420 = tpu.vector_load %arg10[%get3A_418, %get3A_419] {strides = array<i32>} : memref<64x256xf32, #tpu.memory_space<vmem>>, vector<1x16xf32>,
        %get3A_421 = vector.shape_cast %get3A_420 : vector<1x16xf32> to vector<16xf32>
        %mul3A_422 = arith.mulf %div3A_407, %get3A_421 : vector<16xf32>
        %swap3A_423 = arith.index_cast %scan3A_286 : i32 to index
        %swap3A_424 = arith.constant 16 : index
        %swap3A_425 = tpu.vector_load %arg9[%swap3A_423, %swap3A_424] {strides = array<i32>} : memref<64x128xf32, #tpu.memory_space<vmem>>, vector<1x16xf32>,
        %swap3A_426 = vector.shape_cast %swap3A_425 : vector<1x16xf32> to vector<16xf32>
        %swap3A_427 = vector.shape_cast %mul3A_422 : vector<16xf32> to vector<1x16xf32>
        tpu.vector_store %arg9[%swap3A_423, %swap3A_424], %swap3A_427 {strides = array<i32>} : memref<64x128xf32, #tpu.memory_space<vmem>>, vector<1x16xf32>,
        %get3A_428 = arith.index_cast %scan3A_286 : i32 to index
        %get3A_429 = arith.constant 160 : index
        %get3A_430 = tpu.vector_load %arg10[%get3A_428, %get3A_429] {strides = array<i32>} : memref<64x256xf32, #tpu.memory_space<vmem>>, vector<1x16xf32>,
        %get3A_431 = vector.shape_cast %get3A_430 : vector<1x16xf32> to vector<16xf32>
        %mul3A_432 = arith.mulf %div3A_407, %get3A_431 : vector<16xf32>
        %swap3A_433 = arith.index_cast %scan3A_286 : i32 to index
        %swap3A_434 = arith.constant 32 : index
        %swap3A_435 = tpu.vector_load %arg9[%swap3A_433, %swap3A_434] {strides = array<i32>} : memref<64x128xf32, #tpu.memory_space<vmem>>, vector<1x16xf32>,
        %swap3A_436 = vector.shape_cast %swap3A_435 : vector<1x16xf32> to vector<16xf32>
        %swap3A_437 = vector.shape_cast %mul3A_432 : vector<16xf32> to vector<1x16xf32>
        tpu.vector_store %arg9[%swap3A_433, %swap3A_434], %swap3A_437 {strides = array<i32>} : memref<64x128xf32, #tpu.memory_space<vmem>>, vector<1x16xf32>,
        %get3A_438 = arith.index_cast %scan3A_286 : i32 to index
        %get3A_439 = arith.constant 176 : index
        %get3A_440 = tpu.vector_load %arg10[%get3A_438, %get3A_439] {strides = array<i32>} : memref<64x256xf32, #tpu.memory_space<vmem>>, vector<1x16xf32>,
        %get3A_441 = vector.shape_cast %get3A_440 : vector<1x16xf32> to vector<16xf32>
        %mul3A_442 = arith.mulf %div3A_407, %get3A_441 : vector<16xf32>
        %swap3A_443 = arith.index_cast %scan3A_286 : i32 to index
        %swap3A_444 = arith.constant 48 : index
        %swap3A_445 = tpu.vector_load %arg9[%swap3A_443, %swap3A_444] {strides = array<i32>} : memref<64x128xf32, #tpu.memory_space<vmem>>, vector<1x16xf32>,
        %swap3A_446 = vector.shape_cast %swap3A_445 : vector<1x16xf32> to vector<16xf32>
        %swap3A_447 = vector.shape_cast %mul3A_442 : vector<16xf32> to vector<1x16xf32>
        tpu.vector_store %arg9[%swap3A_443, %swap3A_444], %swap3A_447 {strides = array<i32>} : memref<64x128xf32, #tpu.memory_space<vmem>>, vector<1x16xf32>,
        %get3A_448 = arith.index_cast %scan3A_286 : i32 to index
        %get3A_449 = arith.constant 192 : index
        %get3A_450 = tpu.vector_load %arg10[%get3A_448, %get3A_449] {strides = array<i32>} : memref<64x256xf32, #tpu.memory_space<vmem>>, vector<1x16xf32>,
        %get3A_451 = vector.shape_cast %get3A_450 : vector<1x16xf32> to vector<16xf32>
        %mul3A_452 = arith.mulf %div3A_407, %get3A_451 : vector<16xf32>
        %swap3A_453 = arith.index_cast %scan3A_286 : i32 to index
        %swap3A_454 = arith.constant 64 : index
        %swap3A_455 = tpu.vector_load %arg9[%swap3A_453, %swap3A_454] {strides = array<i32>} : memref<64x128xf32, #tpu.memory_space<vmem>>, vector<1x16xf32>,
        %swap3A_456 = vector.shape_cast %swap3A_455 : vector<1x16xf32> to vector<16xf32>
        %swap3A_457 = vector.shape_cast %mul3A_452 : vector<16xf32> to vector<1x16xf32>
        tpu.vector_store %arg9[%swap3A_453, %swap3A_454], %swap3A_457 {strides = array<i32>} : memref<64x128xf32, #tpu.memory_space<vmem>>, vector<1x16xf32>,
        %get3A_458 = arith.index_cast %scan3A_286 : i32 to index
        %get3A_459 = arith.constant 208 : index
        %get3A_460 = tpu.vector_load %arg10[%get3A_458, %get3A_459] {strides = array<i32>} : memref<64x256xf32, #tpu.memory_space<vmem>>, vector<1x16xf32>,
        %get3A_461 = vector.shape_cast %get3A_460 : vector<1x16xf32> to vector<16xf32>
        %mul3A_462 = arith.mulf %div3A_407, %get3A_461 : vector<16xf32>
        %swap3A_463 = arith.index_cast %scan3A_286 : i32 to index
        %swap3A_464 = arith.constant 80 : index
        %swap3A_465 = tpu.vector_load %arg9[%swap3A_463, %swap3A_464] {strides = array<i32>} : memref<64x128xf32, #tpu.memory_space<vmem>>, vector<1x16xf32>,
        %swap3A_466 = vector.shape_cast %swap3A_465 : vector<1x16xf32> to vector<16xf32>
        %swap3A_467 = vector.shape_cast %mul3A_462 : vector<16xf32> to vector<1x16xf32>
        tpu.vector_store %arg9[%swap3A_463, %swap3A_464], %swap3A_467 {strides = array<i32>} : memref<64x128xf32, #tpu.memory_space<vmem>>, vector<1x16xf32>,
        %get3A_468 = arith.index_cast %scan3A_286 : i32 to index
        %get3A_469 = arith.constant 224 : index
        %get3A_470 = tpu.vector_load %arg10[%get3A_468, %get3A_469] {strides = array<i32>} : memref<64x256xf32, #tpu.memory_space<vmem>>, vector<1x16xf32>,
        %get3A_471 = vector.shape_cast %get3A_470 : vector<1x16xf32> to vector<16xf32>
        %mul3A_472 = arith.mulf %div3A_407, %get3A_471 : vector<16xf32>
        %swap3A_473 = arith.index_cast %scan3A_286 : i32 to index
        %swap3A_474 = arith.constant 96 : index
        %swap3A_475 = tpu.vector_load %arg9[%swap3A_473, %swap3A_474] {strides = array<i32>} : memref<64x128xf32, #tpu.memory_space<vmem>>, vector<1x16xf32>,
        %swap3A_476 = vector.shape_cast %swap3A_475 : vector<1x16xf32> to vector<16xf32>
        %swap3A_477 = vector.shape_cast %mul3A_472 : vector<16xf32> to vector<1x16xf32>
        tpu.vector_store %arg9[%swap3A_473, %swap3A_474], %swap3A_477 {strides = array<i32>} : memref<64x128xf32, #tpu.memory_space<vmem>>, vector<1x16xf32>,
        %get3A_478 = arith.index_cast %scan3A_286 : i32 to index
        %get3A_479 = arith.constant 240 : index
        %get3A_480 = tpu.vector_load %arg10[%get3A_478, %get3A_479] {strides = array<i32>} : memref<64x256xf32, #tpu.memory_space<vmem>>, vector<1x16xf32>,
        %get3A_481 = vector.shape_cast %get3A_480 : vector<1x16xf32> to vector<16xf32>
        %mul3A_482 = arith.mulf %div3A_407, %get3A_481 : vector<16xf32>
        %swap3A_483 = arith.index_cast %scan3A_286 : i32 to index
        %swap3A_484 = arith.constant 112 : index
        %swap3A_485 = tpu.vector_load %arg9[%swap3A_483, %swap3A_484] {strides = array<i32>} : memref<64x128xf32, #tpu.memory_space<vmem>>, vector<1x16xf32>,
        %swap3A_486 = vector.shape_cast %swap3A_485 : vector<1x16xf32> to vector<16xf32>
        %swap3A_487 = vector.shape_cast %mul3A_482 : vector<16xf32> to vector<1x16xf32>
        tpu.vector_store %arg9[%swap3A_483, %swap3A_484], %swap3A_487 {strides = array<i32>} : memref<64x128xf32, #tpu.memory_space<vmem>>, vector<1x16xf32>,
      }
      %scan3A_91 = arith.constant 64 : i32
      %run_scoped3A = arith.constant 0 : i32
      "tpu.region"() ({
        %run_scoped3A_92 = tpu.sem_alloc : memref<!tpu.dma_semaphore, #tpu.memory_space<semaphore_mem>>
        %dma_start3A_93 = arith.constant 0 : i32
        %dma_start3A_94 = tpu.memref_slice %arg8[%run_scoped3A, %dma_start3A_93] : memref<1x64xi32, #tpu.memory_space<vmem>> -> memref<1x64xi32, #tpu.memory_space<vmem>>
        %dma_start3A_95 = tpu.memref_squeeze %dma_start3A_94 : memref<1x64xi32, #tpu.memory_space<vmem>> -> memref<64xi32, #tpu.memory_space<vmem>>
        %dma_start3A_96 = arith.constant 0 : i32
        %dma_start3A_97 = arith.constant 0 : i32
        %dma_start3A_98 = tpu.memref_slice %arg11[%dma_start3A_96, %dma_start3A_97] : memref<10240x128xf32, #tpu.memory_space<vmem_shared>> -> memref<10240x128xf32, #tpu.memory_space<vmem_shared>>
        tpu.enqueue_indirect_dma source(%arg9 : memref<64x128xf32, #tpu.memory_space<vmem>>) target(%dma_start3A_98 : memref<10240x128xf32, #tpu.memory_space<vmem_shared>>) offsets(%dma_start3A_95 : memref<64xi32, #tpu.memory_space<vmem>>) semaphore(%run_scoped3A_92 : memref<!tpu.dma_semaphore, #tpu.memory_space<semaphore_mem>>) {add = true}
        %dma_wait3A_99 = arith.constant 0 : i32
        %dma_wait3A_100 = tpu.memref_slice %arg8[%run_scoped3A, %dma_wait3A_99] : memref<1x64xi32, #tpu.memory_space<vmem>> -> memref<1x64xi32, #tpu.memory_space<vmem>>
        %dma_wait3A_101 = tpu.memref_squeeze %dma_wait3A_100 : memref<1x64xi32, #tpu.memory_space<vmem>> -> memref<64xi32, #tpu.memory_space<vmem>>
        %dma_wait3A_102 = arith.constant 0 : i32
        %dma_wait3A_103 = arith.constant 0 : i32
        %dma_wait3A_104 = tpu.memref_slice %arg11[%dma_wait3A_102, %dma_wait3A_103] : memref<10240x128xf32, #tpu.memory_space<vmem_shared>> -> memref<10240x128xf32, #tpu.memory_space<vmem_shared>>
        tpu.wait_indirect_dma semaphore(%run_scoped3A_92 : memref<!tpu.dma_semaphore, #tpu.memory_space<semaphore_mem>>) src(%arg9 : memref<64x128xf32, #tpu.memory_space<vmem>>) dst(%dma_wait3A_104 : memref<10240x128xf32, #tpu.memory_space<vmem_shared>>)
        tpu.yield
      }) : () -> ()
    }
    %scan3A_33 = arith.constant 157 : i32
    %barrier3A_34 = arith.constant 0 : index
    tpu.barrier barrier_id(%barrier3A_34)
    "tpu.region"() ({
      %run_scoped3A = tpu.sem_alloc : memref<!tpu.dma_semaphore, #tpu.memory_space<semaphore_mem>>
      %dma_start3A = arith.constant 0 : i32
      %dma_start3A_35 = tpu.memref_slice %arg6[%arg0, %mul3A_7, %dma_start3A] : memref<2x10240x128xf32, #tpu.memory_space<hbm>> -> memref<1x640x128xf32, #tpu.memory_space<hbm>>
      %dma_start3A_36 = tpu.memref_squeeze %dma_start3A_35 : memref<1x640x128xf32, #tpu.memory_space<hbm>> -> memref<640x128xf32, #tpu.memory_space<hbm>>
      %dma_start3A_37 = arith.constant 0 : i32
      %dma_start3A_38 = tpu.memref_slice %arg11[%mul3A_7, %dma_start3A_37] : memref<10240x128xf32, #tpu.memory_space<vmem_shared>> -> memref<640x128xf32, #tpu.memory_space<vmem_shared>>
      tpu.enqueue_dma source(%dma_start3A_38 : memref<640x128xf32, #tpu.memory_space<vmem_shared>>) target(%dma_start3A_36 : memref<640x128xf32, #tpu.memory_space<hbm>>) target_semaphore(%run_scoped3A : memref<!tpu.dma_semaphore, #tpu.memory_space<semaphore_mem>>)
      %dma_wait3A = arith.constant 0 : i32
      %dma_wait3A_39 = tpu.memref_slice %arg6[%arg0, %mul3A_7, %dma_wait3A] : memref<2x10240x128xf32, #tpu.memory_space<hbm>> -> memref<1x640x128xf32, #tpu.memory_space<hbm>>
      %dma_wait3A_40 = tpu.memref_squeeze %dma_wait3A_39 : memref<1x640x128xf32, #tpu.memory_space<hbm>> -> memref<640x128xf32, #tpu.memory_space<hbm>>
      %dma_wait3A_41 = arith.constant 0 : i32
      %dma_wait3A_42 = tpu.memref_slice %arg11[%mul3A_7, %dma_wait3A_41] : memref<10240x128xf32, #tpu.memory_space<vmem_shared>> -> memref<640x128xf32, #tpu.memory_space<vmem_shared>>
      tpu.wait_dma2 semaphore(%run_scoped3A : memref<!tpu.dma_semaphore, #tpu.memory_space<semaphore_mem>>) src(%dma_wait3A_42 : memref<640x128xf32, #tpu.memory_space<vmem_shared>>) dst(%dma_wait3A_40 : memref<640x128xf32, #tpu.memory_space<hbm>>)
      tpu.yield
    }) : () -> ()
    return
  }
}

module attributes {stable_mosaic.version = 14 : i64} {
  func.func @_qkv_body(%arg0: i32, %arg1: memref<1024x128xf32, #tpu.memory_space<vmem>>, %arg2: memref<128x128xf32, #tpu.memory_space<vmem>>, %arg3: memref<128x256xf32, #tpu.memory_space<vmem>>, %arg4: memref<1024x128xf32, #tpu.memory_space<vmem>>, %arg5: memref<1024x256xf32, #tpu.memory_space<vmem>>) attributes {dimension_semantics = [#tpu.dimension_semantics<arbitrary>], iteration_bounds = array<i64: 10>, scalar_prefetch = 0 : i64, scratch_operands = 0 : i64, tpu.core_type = #tpu.core_type<tc>, window_params = [{transform_indices = @transform_0, window_bounds = array<i64: 1024, 128>}, {pipeline_mode = #tpu.pipeline_mode<synchronous>, transform_indices = @transform_1, window_bounds = array<i64: 128, 128>}, {pipeline_mode = #tpu.pipeline_mode<synchronous>, transform_indices = @transform_2, window_bounds = array<i64: 128, 256>}, {transform_indices = @transform_3, window_bounds = array<i64: 1024, 128>}, {transform_indices = @transform_4, window_bounds = array<i64: 1024, 256>}]} {
    %get3A = arith.constant 0 : index
    %get3A_0 = arith.constant 0 : index
    %get3A_1 = vector.load %arg1[%get3A, %get3A_0] : memref<1024x128xf32, #tpu.memory_space<vmem>>, vector<1024x128xf32>
    %get3A_2 = arith.constant 0 : index
    %get3A_3 = arith.constant 0 : index
    %get3A_4 = vector.load %arg2[%get3A_2, %get3A_3] : memref<128x128xf32, #tpu.memory_space<vmem>>, vector<128x128xf32>
    %dot_general3A = arith.constant dense<0.000000e+00> : vector<1024x128xf32>
    %dot_general3A_5 = tpu.matmul %get3A_1, %get3A_4, %dot_general3A {dimension_numbers = #tpu.dot_dimension_numbers<[1], [0], [0], [1], [0, 0, 1, 1], [], []>, transpose_lhs_hint = false} : vector<1024x128xf32>, vector<128x128xf32>, vector<1024x128xf32> -> vector<1024x128xf32>
    %swap3A = arith.constant 0 : index
    %swap3A_6 = arith.constant 0 : index
    %swap3A_7 = vector.load %arg4[%swap3A, %swap3A_6] : memref<1024x128xf32, #tpu.memory_space<vmem>>, vector<1024x128xf32>
    tpu.vector_store %arg4[%swap3A, %swap3A_6], %dot_general3A_5 {strides = array<i32>} : memref<1024x128xf32, #tpu.memory_space<vmem>>, vector<1024x128xf32>,
    %get3A_8 = arith.constant 0 : index
    %get3A_9 = arith.constant 0 : index
    %get3A_10 = vector.load %arg3[%get3A_8, %get3A_9] : memref<128x256xf32, #tpu.memory_space<vmem>>, vector<128x256xf32>
    %dot_general3A_11 = arith.constant dense<0.000000e+00> : vector<1024x256xf32>
    %dot_general3A_12 = tpu.matmul %get3A_1, %get3A_10, %dot_general3A_11 {dimension_numbers = #tpu.dot_dimension_numbers<[1], [0], [0], [1], [0, 0, 1, 1], [], []>, transpose_lhs_hint = false} : vector<1024x128xf32>, vector<128x256xf32>, vector<1024x256xf32> -> vector<1024x256xf32>
    %swap3A_13 = arith.constant 0 : index
    %swap3A_14 = arith.constant 0 : index
    %swap3A_15 = vector.load %arg5[%swap3A_13, %swap3A_14] : memref<1024x256xf32, #tpu.memory_space<vmem>>, vector<1024x256xf32>
    tpu.vector_store %arg5[%swap3A_13, %swap3A_14], %dot_general3A_12 {strides = array<i32>} : memref<1024x256xf32, #tpu.memory_space<vmem>>, vector<1024x256xf32>,
    return
  }
  func.func @transform_0(%arg0: i32) -> (i32, i32) {
    %c0_i32 = arith.constant 0 : i32
    %c0_i32_0 = arith.constant 0 : i32
    return %arg0, %c0_i32 : i32, i32
  }
  func.func @transform_1(%arg0: i32) -> (i32, i32) {
    %c0_i32 = arith.constant 0 : i32
    %c0_i32_0 = arith.constant 0 : i32
    %c0_i32_1 = arith.constant 0 : i32
    return %c0_i32, %c0_i32_0 : i32, i32
  }
  func.func @transform_2(%arg0: i32) -> (i32, i32) {
    %c0_i32 = arith.constant 0 : i32
    %c0_i32_0 = arith.constant 0 : i32
    %c0_i32_1 = arith.constant 0 : i32
    return %c0_i32, %c0_i32_0 : i32, i32
  }
  func.func @transform_3(%arg0: i32) -> (i32, i32) {
    %c0_i32 = arith.constant 0 : i32
    %c0_i32_0 = arith.constant 0 : i32
    return %arg0, %c0_i32 : i32, i32
  }
  func.func @transform_4(%arg0: i32) -> (i32, i32) {
    %c0_i32 = arith.constant 0 : i32
    %c0_i32_0 = arith.constant 0 : i32
    return %arg0, %c0_i32 : i32, i32
  }
}

module attributes {stable_mosaic.version = 14 : i64} {
  func.func @_fin_body(%arg0: i32, %arg1: memref<1000x128xf32, #tpu.memory_space<vmem>>, %arg2: memref<1000x128xf32, #tpu.memory_space<vmem>>, %arg3: memref<1000x128xf32, #tpu.memory_space<vmem>>, %arg4: memref<128x128xf32, #tpu.memory_space<vmem>>, %arg5: memref<1x128xf32, #tpu.memory_space<vmem>>, %arg6: memref<1x128xf32, #tpu.memory_space<vmem>>, %arg7: memref<1x128xf32, #tpu.memory_space<vmem>>, %arg8: memref<1000x128xf32, #tpu.memory_space<vmem>>) attributes {dimension_semantics = [#tpu.dimension_semantics<arbitrary>], iteration_bounds = array<i64: 10>, scalar_prefetch = 0 : i64, scratch_operands = 0 : i64, tpu.core_type = #tpu.core_type<tc>, window_params = [{transform_indices = @transform_0, window_bounds = array<i64: 1000, 128>}, {transform_indices = @transform_1, window_bounds = array<i64: 1000, 128>}, {transform_indices = @transform_2, window_bounds = array<i64: 1000, 128>}, {pipeline_mode = #tpu.pipeline_mode<synchronous>, transform_indices = @transform_3, window_bounds = array<i64: 128, 128>}, {pipeline_mode = #tpu.pipeline_mode<synchronous>, transform_indices = @transform_4, window_bounds = array<i64: 1, 128>}, {pipeline_mode = #tpu.pipeline_mode<synchronous>, transform_indices = @transform_5, window_bounds = array<i64: 1, 128>}, {pipeline_mode = #tpu.pipeline_mode<synchronous>, transform_indices = @transform_6, window_bounds = array<i64: 1, 128>}, {transform_indices = @transform_7, window_bounds = array<i64: 1000, 128>}]} {
    %get3A = arith.constant 0 : index
    %get3A_0 = arith.constant 0 : index
    %get3A_1 = vector.load %arg1[%get3A, %get3A_0] : memref<1000x128xf32, #tpu.memory_space<vmem>>, vector<1000x128xf32>
    %get3A_2 = arith.constant 0 : index
    %get3A_3 = arith.constant 0 : index
    %get3A_4 = vector.load %arg2[%get3A_2, %get3A_3] : memref<1000x128xf32, #tpu.memory_space<vmem>>, vector<1000x128xf32>
    %add3A = arith.addf %get3A_1, %get3A_4 : vector<1000x128xf32>
    %get3A_5 = arith.constant 0 : index
    %get3A_6 = arith.constant 0 : index
    %get3A_7 = vector.load %arg4[%get3A_5, %get3A_6] : memref<128x128xf32, #tpu.memory_space<vmem>>, vector<128x128xf32>
    %dot_general3A = arith.constant dense<0.000000e+00> : vector<1000x128xf32>
    %dot_general3A_8 = tpu.matmul %add3A, %get3A_7, %dot_general3A {dimension_numbers = #tpu.dot_dimension_numbers<[1], [0], [0], [1], [0, 0, 1, 1], [], []>, transpose_lhs_hint = false} : vector<1000x128xf32>, vector<128x128xf32>, vector<1000x128xf32> -> vector<1000x128xf32>
    %get3A_9 = arith.constant 0 : index
    %get3A_10 = arith.constant 0 : index
    %get3A_11 = vector.load %arg3[%get3A_9, %get3A_10] : memref<1000x128xf32, #tpu.memory_space<vmem>>, vector<1000x128xf32>
    %add3A_12 = arith.addf %get3A_11, %dot_general3A_8 : vector<1000x128xf32>
    %get3A_13 = arith.constant 0 : index
    %get3A_14 = arith.constant 0 : index
    %get3A_15 = vector.load %arg5[%get3A_13, %get3A_14] : memref<1x128xf32, #tpu.memory_space<vmem>>, vector<1x128xf32>
    %add3A_16 = vector.broadcast %get3A_15 : vector<1x128xf32> to vector<1000x128xf32>
    %add3A_17 = arith.addf %add3A_12, %add3A_16 : vector<1000x128xf32>
    %reduce_sum3A = arith.constant dense<0.000000e+00> : vector<1000xf32>
    %reduce_sum3A_18 = vector.multi_reduction <add>, %add3A_17, %reduce_sum3A [1] : vector<1000x128xf32> to vector<1000xf32>
    %broadcast_in_dim3A = vector.shape_cast %reduce_sum3A_18 : vector<1000xf32> to vector<1000x1xf32>
    %div3A = arith.constant 1.280000e+02 : f32
    %div3A_19 = vector.broadcast %div3A : f32 to vector<1000x1xf32>
    %div3A_20 = arith.divf %broadcast_in_dim3A, %div3A_19 : vector<1000x1xf32>
    %sub3A = vector.broadcast %div3A_20 : vector<1000x1xf32> to vector<1000x128xf32>
    %sub3A_21 = arith.subf %add3A_17, %sub3A : vector<1000x128xf32>
    %mul3A = arith.mulf %sub3A_21, %sub3A_21 : vector<1000x128xf32>
    %reduce_sum3A_22 = arith.constant dense<0.000000e+00> : vector<1000xf32>
    %reduce_sum3A_23 = vector.multi_reduction <add>, %mul3A, %reduce_sum3A_22 [1] : vector<1000x128xf32> to vector<1000xf32>
    %broadcast_in_dim3A_24 = vector.shape_cast %reduce_sum3A_23 : vector<1000xf32> to vector<1000x1xf32>
    %div3A_25 = arith.constant 1.280000e+02 : f32
    %div3A_26 = vector.broadcast %div3A_25 : f32 to vector<1000x1xf32>
    %div3A_27 = arith.divf %broadcast_in_dim3A_24, %div3A_26 : vector<1000x1xf32>
    %add3A_28 = arith.constant 9.99999974E-6 : f32
    %add3A_29 = vector.broadcast %add3A_28 : f32 to vector<1000x1xf32>
    %add3A_30 = arith.addf %div3A_27, %add3A_29 : vector<1000x1xf32>
    %rsqrt3A = math.rsqrt %add3A_30 : vector<1000x1xf32>
    %mul3A_31 = vector.broadcast %rsqrt3A : vector<1000x1xf32> to vector<1000x128xf32>
    %mul3A_32 = arith.mulf %sub3A_21, %mul3A_31 : vector<1000x128xf32>
    %get3A_33 = arith.constant 0 : index
    %get3A_34 = arith.constant 0 : index
    %get3A_35 = vector.load %arg6[%get3A_33, %get3A_34] : memref<1x128xf32, #tpu.memory_space<vmem>>, vector<1x128xf32>
    %mul3A_36 = vector.broadcast %get3A_35 : vector<1x128xf32> to vector<1000x128xf32>
    %mul3A_37 = arith.mulf %mul3A_32, %mul3A_36 : vector<1000x128xf32>
    %get3A_38 = arith.constant 0 : index
    %get3A_39 = arith.constant 0 : index
    %get3A_40 = vector.load %arg7[%get3A_38, %get3A_39] : memref<1x128xf32, #tpu.memory_space<vmem>>, vector<1x128xf32>
    %add3A_41 = vector.broadcast %get3A_40 : vector<1x128xf32> to vector<1000x128xf32>
    %add3A_42 = arith.addf %mul3A_37, %add3A_41 : vector<1000x128xf32>
    %swap3A = arith.constant 0 : index
    %swap3A_43 = arith.constant 0 : index
    %swap3A_44 = vector.load %arg8[%swap3A, %swap3A_43] : memref<1000x128xf32, #tpu.memory_space<vmem>>, vector<1000x128xf32>
    tpu.vector_store %arg8[%swap3A, %swap3A_43], %add3A_42 {strides = array<i32>} : memref<1000x128xf32, #tpu.memory_space<vmem>>, vector<1000x128xf32>,
    return
  }
  func.func @transform_0(%arg0: i32) -> (i32, i32) {
    %c0_i32 = arith.constant 0 : i32
    %c0_i32_0 = arith.constant 0 : i32
    return %arg0, %c0_i32 : i32, i32
  }
  func.func @transform_1(%arg0: i32) -> (i32, i32) {
    %c0_i32 = arith.constant 0 : i32
    %c0_i32_0 = arith.constant 0 : i32
    return %arg0, %c0_i32 : i32, i32
  }
  func.func @transform_2(%arg0: i32) -> (i32, i32) {
    %c0_i32 = arith.constant 0 : i32
    %c0_i32_0 = arith.constant 0 : i32
    return %arg0, %c0_i32 : i32, i32
  }
  func.func @transform_3(%arg0: i32) -> (i32, i32) {
    %c0_i32 = arith.constant 0 : i32
    %c0_i32_0 = arith.constant 0 : i32
    %c0_i32_1 = arith.constant 0 : i32
    return %c0_i32, %c0_i32_0 : i32, i32
  }
  func.func @transform_4(%arg0: i32) -> (i32, i32) {
    %c0_i32 = arith.constant 0 : i32
    %c0_i32_0 = arith.constant 0 : i32
    %c0_i32_1 = arith.constant 0 : i32
    return %c0_i32, %c0_i32_0 : i32, i32
  }
  func.func @transform_5(%arg0: i32) -> (i32, i32) {
    %c0_i32 = arith.constant 0 : i32
    %c0_i32_0 = arith.constant 0 : i32
    %c0_i32_1 = arith.constant 0 : i32
    return %c0_i32, %c0_i32_0 : i32, i32
  }
  func.func @transform_6(%arg0: i32) -> (i32, i32) {
    %c0_i32 = arith.constant 0 : i32
    %c0_i32_0 = arith.constant 0 : i32
    %c0_i32_1 = arith.constant 0 : i32
    return %c0_i32, %c0_i32_0 : i32, i32
  }
  func.func @transform_7(%arg0: i32) -> (i32, i32) {
    %c0_i32 = arith.constant 0 : i32
    %c0_i32_0 = arith.constant 0 : i32
    return %arg0, %c0_i32 : i32, i32
  }
}

</mosaic_0001>

<sc_bundles>
// kernel: kernel.5.cloned.1.call-start
scs
__scs_entry_jumppad:
0x0: {  	(pc) =	sbr.rel $0x88, $3  }
0x1: {  	(tag) =	ssettag $0x0;
	lr =	simm.s32 $0x1  }
0x2: {  	[smem:$0x3F98] =	sst lr;
	_ =	strace $0xD0000000  }
0x3: {  	_ = 	snop  }
0x4: {  	_ = 	snop  }
0x5: {  	_ = 	snop  }
0x6: {  	_ = 	snop  }
0x7: {  	_ = 	snop  }
__scs_overlays_trampoline_lowered:
0x8: {  	[smem:$0x3FA7] =	sst s0  }
0x9: {  	[smem:$0x3FA8] =	sst s1  }
0xa: {  	[smem:$0x3FA9] =	sst s2  }
0xb: {  	[smem:$0x3FAA] =	sst s3  }
0xc: {  	[smem:$0x3FAB] =	sst s4  }
0xd: {  	[smem:$0x3FAC] =	sst s5  }
0xe: {  	[smem:$0x3FAD] =	sst s6  }
0xf: {  	[smem:$0x3FAE] =	sst s7  }
0x10: {  	[smem:$0x3FAF] =	sst s8  }
0x11: {  	[smem:$0x3FB0] =	sst s9;
	s0 =	simm.s32 @!p0 $0x0  }
0x12: {  	s1 =	sld [smem:$0x3F96];
	s0 =	simm.s32 @p0 $0x1  }
0x13: {  	[smem:$0x3FB1] =	sst s0;
	s0 =	simm.s32 @!p1 $0x0  }
0x14: {  	s2 =	sld [smem:$0x3F95];
	s0 =	simm.s32 @p1 $0x1  }
0x15: {  	[smem:$0x3FB2] =	sst s0;
	s0 =	simm.s32 @!p2 $0x0  }
0x16: {  	s3 =	sld [smem:$0x3FDB];
	s0 =	simm.s32 @p2 $0x1  }
0x17: {  	s4 =	simm.s32 $0x1BF5;
	[smem:$0x3FB4] =	sst s0  }
0x18: {  	s0 =	sld [smem:$0x3F97];
	_ =	swait.ge [sflag:s4], $0x0  }
0x19: {  	s7 =	sld [smem:$0x3F98]  }
0x1a: {  	s8 =	sadd.s32 $0xFFFFE003, lr  }
0x1b: {  	s9 =	sadd.s32 $0xFFFFFEF7, lr;
	s5 =	simm.s32 $0xFFFFFFFF;
	p2 =	slt.u32 s8, $0xFFFFF086  }
0x1c: {  	p1 =	slt.u32 s9, $0xF7A;
	s5 =	simm.s32 @!p2 $0x0  }
0x1d: {  	s5 =	simm.s32 @p1 $0x1;
	p0 =	seq.s32 s7, s2  }
0x1e: {  	s7 =	smul.u32 @!p0 $0xF7A, s2;
	p2 =	seq.s32 @!p0 s5, $0x0  }
0x1f: {  	s9 =	smul.u32 $0xF7A, s1;
	s8 =	simm.s32 @!p0 $0x1BF5;
	p2 =	por !p2, p0  }
0x20: {  	[sflag:s8] =	ssyncset.s32 @!p0 $0xFFFFF086;
	s6 =	sadd.s32 @!p0 s3, s7;
	s7 =	simm.s32 @!p0 $0x108  }
0x21: {  	s3 =	sadd.s32 s3, s9;
	s6 =	sadd.s32 @!p0 $0x88, s6;
	s7 =	simm.s32 @p2 $0x1082  }
0x22: {  	[simem:s7], [sflag:s8] =	dma.local @!p0 [hbm:s6], $0xF7A  }
0x23: {  	s9 =	sor.u32 $0xD0000000, s2;
	s6 =	simm.s32 $0x108;
	_ =	swait.ge @!p0 [sflag:s8], $0x0  }
0x24: {  	s3 =	sadd.s32 $0x88, s3;
	s6 =	simm.s32 @!p1 $0x1082;
	[sflag:s4] =	ssyncset.s32 $0xFFFFF086  }
0x25: {  	[simem:s6], [sflag:s4] =	dma.local [hbm:s3], $0xF7A  }
0x26: {  	[smem:$0x3F98] =	sst s1;
	(tag) =	ssettag s2;
	_ =	strace s9  }
0x27: {  	s1 =	sld [smem:$0x3FA8]  }
0x28: {  	s2 =	sld [smem:$0x3FA9]  }
0x29: {  	s4 =	sld [smem:$0x3FAB]  }
0x2a: {  	p0 =	seq.s32 s5, $0x0;
	s5 =	sld [smem:$0x3FAC]  }
0x2b: {  	s6 =	sld [smem:$0x3FAD]  }
0x2c: {  	s7 =	sld [smem:$0x3FAE]  }
0x2d: {  	s3 =	simm.s32 $0x108;
	s8 =	sld [smem:$0x3FAF]  }
0x2e: {  	s3 =	simm.s32 @!p0 $0x1082;
	s9 =	sld [smem:$0x3FB0]  }
0x2f: {  	lr =	sadd.s32 s0, s3;
	s0 =	sld [smem:$0x3FA7]  }
0x30: {  	s3 =	sld [smem:$0x3FAA]  }
0x31: {  	[smem:$0x3FB3] =	sst s10  }
0x32: {  	s10 =	sld [smem:$0x3FB1];
	_ =	sdelay $0x3  }
0x33: {  	p0 =	seq.s32 s10, $0x1;
	s10 =	sld [smem:$0x3FB3];
	_ =	sdelay $0x3  }
0x34: {  	[smem:$0x3FB3] =	sst s10  }
0x35: {  	s10 =	sld [smem:$0x3FB2];
	_ =	sdelay $0x3  }
0x36: {  	p1 =	seq.s32 s10, $0x1;
	s10 =	sld [smem:$0x3FB3];
	_ =	sdelay $0x3  }
0x37: {  	[smem:$0x3FB3] =	sst s10  }
0x38: {  	s10 =	sld [smem:$0x3FB4]  }
0x39: {  	_ = 	snop;
	(pc) =	sbr.ind lr, $3  }
0x3a: {  	_ = 	snop  }
0x3b: {  	_ = 	snop  }
0x3c: {  	p2 =	seq.s32 s10, $0x1;
	s10 =	sld [smem:$0x3FB3]  }
0x3d: {  	_ =	shalt  }
0x3e: {  	_ =	shalt  }
0x3f: {  	_ =	shalt  }
0x40: {  	_ =	shalt  }
0x41: {  	_ =	shalt  }
0x42: {  	_ =	shalt  }
0x43: {  	_ =	shalt  }
0x44: {  	_ =	shalt  }
0x45: {  	_ =	shalt  }
0x46: {  	_ =	shalt  }
0x47: {  	_ =	shalt  }
0x48: {  	_ =	shalt  }
0x49: {  	_ =	shalt  }
0x4a: {  	_ =	shalt  }
0x4b: {  	_ =	shalt  }
0x4c: {  	_ =	shalt  }
0x4d: {  	_ =	shalt  }
0x4e: {  	_ =	shalt  }
0x4f: {  	_ =	shalt  }
0x50: {  	_ =	shalt  }
0x51: {  	_ =	shalt  }
0x52: {  	_ =	shalt  }
0x53: {  	_ =	shalt  }
0x54: {  	_ =	shalt  }
0x55: {  	_ =	shalt  }
0x56: {  	_ =	shalt  }
0x57: {  	_ =	shalt  }
0x58: {  	_ =	shalt  }
0x59: {  	_ =	shalt  }
0x5a: {  	_ =	shalt  }
0x5b: {  	_ =	shalt  }
0x5c: {  	_ =	shalt  }
0x5d: {  	_ =	shalt  }
0x5e: {  	_ =	shalt  }
0x5f: {  	_ =	shalt  }
0x60: {  	_ =	shalt  }
0x61: {  	_ =	shalt  }
0x62: {  	_ =	shalt  }
0x63: {  	_ =	shalt  }
0x64: {  	_ =	shalt  }
0x65: {  	_ =	shalt  }
0x66: {  	_ =	shalt  }
0x67: {  	_ =	shalt  }
0x68: {  	_ =	shalt  }
0x69: {  	_ =	shalt  }
0x6a: {  	_ =	shalt  }
0x6b: {  	_ =	shalt  }
0x6c: {  	_ =	shalt  }
0x6d: {  	_ =	shalt  }
0x6e: {  	_ =	shalt  }
0x6f: {  	_ =	shalt  }
0x70: {  	_ =	shalt  }
0x71: {  	_ =	shalt  }
0x72: {  	_ =	shalt  }
0x73: {  	_ =	shalt  }
0x74: {  	_ =	shalt  }
0x75: {  	_ =	shalt  }
0x76: {  	_ =	shalt  }
0x77: {  	_ =	shalt  }
0x78: {  	_ =	shalt  }
0x79: {  	_ =	shalt  }
0x7a: {  	_ =	shalt  }
0x7b: {  	_ =	shalt  }
0x7c: {  	_ =	shalt  }
0x7d: {  	_ =	shalt  }
0x7e: {  	_ =	shalt  }
0x7f: {  	_ =	shalt  }
0x80: {  	_ =	shalt  }
0x81: {  	_ =	shalt  }
0x82: {  	_ =	shalt  }
0x83: {  	_ =	shalt  }
0x84: {  	_ =	shalt  }
0x85: {  	_ =	shalt  }
0x86: {  	_ =	shalt  }
0x87: {  	_ =	shalt  }
.Lfunc_end0:
.L_simem_size_0:
called_computation_lowered:
.L_overlay_start_0:
0x88: {  	s2 =	sld [smem:$0x3FD9]  }
0x89: {  	s3 =	sld [smem:$0x3FFE];
	_ =	sdelay $0x1  }
0x8a: {  	s1 =	srdreg.scid  }
0x8b: {  	s0 =	sand.u32 $0x1, s1  }
0x8c: {  	s17 =	sshll.u32 s0, $0xA;
	s2 =	sadd.s32 s3, s2  }
0x8d: {  	s2 =	sadd.s32 s2, s17  }
0x8e: {  	[smem:$0x3FBF] =	sst s2  }
0x8f: {  	_ = 	snop  }
0x90: {  	s2 =	sld [smem:$0x3FD0];
	(tm) =	ssettm $0x1  }
0x91: {  	s18 =	sld [smem:$0x3FFB];
	_ =	sdelay $0x3  }
0x92: {  	_ =	strace s18  }
0x93: {  	s3 =	sld [smem:$0x3FFC];
	_ =	sdelay $0x3  }
0x94: {  	_ =	strace s3  }
0x95: {  	s3 =	sld [smem:$0x3FFD];
	_ =	sdelay $0x3  }
0x96: {  	_ =	strace s3  }
0x97: {  	_ =	strace $0x8FFFFFFF  }
0x98: {  	s19 =	sld [smem:$0x3FDB];
	_ =	sdelay $0x1  }
0x99: {  	s4 =	simm.s32 $_scs_section_size  }
0x9a: {  	s5 =	simm.s32 $_size__tile_overlayer_lowered;
	s6 =	simm.s32 $_tile_overlayer_lowered  }
0x9b: {  	s22 =	simm.s32 $0x1BFF;
	s21 =	sshll.u32 s6, $0x1;
	s3 =	sadd.s32 s4, s19  }
0x9c: {  	s7 =	simm.s32 $0x0;
	s20 =	sshll.u32 s5, $0x1;
	s5 =	sadd.s32 s21, s3  }
0x9d: {  	[timem:s7], [sflag:s22] =	dma.local [hbm:s5], s20  }
0x9e: {  	_ =	swait.ge [sflag:s22], s20  }
0x9f: {  	s4 =	ssub.s32 $0x0, s20;
	[sflag:s22] =	ssyncset.done $0x0  }
0xa0: {  	[sflag:s22] =	ssyncadd.s32 s4;
	_ =	sdelay $0x1  }
0xa1: {  	s23 =	simm.s32 $0x1B8B  }
0xa2: {  	_ =	swait.ge [sflag:s23], $0x1  }
0xa3: {  	[sflag:s23] =	ssyncset.done $0x0  }
0xa4: {  	s25 =	simm.s32 $0x1B8E;
	s24 =	sld [smem:$0x3FFE];
	[sflag:s23] =	ssyncadd.s32 $0xFFFFFFFF  }
0xa5: {  	s26 =	simm.s32 $execute0_lowered;
	[smem:$0x3FD2] =	sst s25  }
0xa6: {  	s5 =	sshll.u32 s26, $0x1;
	_ =	strace $0x80000046;
	[dreg:$0x1] =	wrdreg $0xFFFFFFFF  }
0xa7: {  	s28 =	simm.s32 $_size_execute0_lowered;
	s3 =	sadd.s32 s3, s5;
	[dreg:$0x0] =	wrdreg $0x0  }
0xa8: {  	s5 =	sshll.u32 s28, $0x1;
	[dreg:$0x2] =	wrdreg s3  }
0xa9: {  	[dreg:$0x3] =	wrdreg s5  }
0xaa: {  	[dreg:$0x4] =	wrdreg $0xC0  }
0xab: {  	_ =	task [dreg:s7], $0x5FFFF  }
0xac: {  	[dreg:$0x1] =	wrdreg $0xFFFFFFFF  }
0xad: {  	[dreg:$0x0] =	wrdreg $0x60  }
0xae: {  	[dreg:$0x2] =	wrdreg s24  }
0xaf: {  	[dreg:$0x3] =	wrdreg s2  }
0xb0: {  	[dreg:$0x4] =	wrdreg $0x61000  }
0xb1: {  	[dreg:$0x5] =	wrdreg $0x9  }
0xb2: {  	_ =	task.clear_ibuf [dreg:s7], $0x6FFFF;
	_ =	strace $0x90000046  }
0xb3: {  	s29 =	simm.s32 $0x9;
	_ =	strace $0x80000048  }
0xb4: {  	_ =	swait.ge [sflag:s29], $0x1  }
0xb5: {  	[sflag:s29] =	ssyncadd.s32 $0xFFFFFFFF  }
0xb6: {  	_ =	strace $0x90000048  }
0xb7: {  	_ =	sfence  }
0xb8: {  	s30 =	sld [smem:$0x0];
	_ =	sdelay $0x2  }
0xb9: {  	s31 =	sshll.u32 s1, $0xD;
	s1 =	sshrl.u32 s1, $0x2  }
0xba: {  	s3 =	sand.u32 $0x4000, s31;
	s1 =	sadd.s32 s1, s30  }
0xbb: {  	s0 =	sor.u32 s3, s0;
	s1 =	sshll.u32 s1, $0x11  }
0xbc: {  	s0 =	sor.u32 s1, s0  }
0xbd: {  	s0 =	sadd.s32 $0x8F2B, s0  }
0xbe: {  	[sflag:s0] =	ssyncadd.remote.s32 $0x1  }
0xbf: {  	_ =	sfence.sel $0xFFFF  }
0xc0: {  	[dreg:$0x0] =	wrdreg $0xFFFFFFFF;
	(pc) =	sbr.abs _section_cstart, $3  }
0xc1: {  	[dreg:$0x1] =	wrdreg $0xFFFFFFFF  }
0xc2: {  	_ =	task.clear_ibuf [dreg:s7], $0x2FFFF;
	_ =	strace $0x9FFFFFFF  }
0xc3: {  	(tm) =	ssettm $0x7FFFFFFF  }
tec
execute0_lowered:
.L_overlay_start_1:
0x0: {  	(tag) =	ssettag $0x1  }
0x1: {  	s0 =	rddreg [dreg:$0x0]  }
0x2: {  	s1 =	rddreg [dreg:$0x1]  }
0x3: {  	s2 =	rddreg [dreg:$0x2]  }
0x4: {  	s3 =	srdreg.scid;
	s5 =	simm.s32 $0x0;
	s10 =	stileid.u32  }
0x5: {  	s28 =	simm.s32 $0x2900;
	s29 =	simm.s32 $0x3100;
	s8 =	smul.u32 $0x50000, s10  }
0x6: {  	s30 =	simm.s32 $0x3900;
	s31 =	simm.s32 $0x4100;
	s3 =	sand.u32 $0x1, s3  }
0x7: {  	[smem:$0x7FF] =	sst s5;
	s6 =	smul.u32 $0x14000, s10;
	s8 =	sshrl.u32 s8, $0x2  }
0x8: {  	s5 =	sadd.s32 $0x65400, s0;
	s7 =	sadd.s32 $0x1400, s0;
	s8 =	sadd.s32 s8, s2  }
0x9: {  	s10 =	sshll.u32 s10, $0x1;
	s4 =	smul.u32 $0x140000, s3;
	s17 =	sadd.s32 $0x2000, s8  }
0xa: {  	v0 =	vimm.s32 $0xEFCDAB89;
	_ =	strace $0x80000047;
	s18 =	sadd.s32 $0x4000, s8;
	[dreg:$0x4] =	wrdreg s17  }
0xb: {  	v1 =	vimm.s32 $0x67452301;
	v4 =	vimm.s32 $0xDCFE98BA;
	s16 =	ssub.s32 $0x2, s3;
	s19 =	sadd.s32 $0x6000, s8;
	[dreg:$0x5] =	wrdreg s18  }
0xc: {  	v5 =	vimm.s32 $0x54761032;
	v2 =	vunpack.c.l.s4.s8 v0;
	v1 =	vunpack.c.l.s4.s8 v1;
	s3 =	sor.u32 s3, s10;
	s20 =	sadd.s32 $0x8000, s8;
	[dreg:$0x6] =	wrdreg s19  }
0xd: {  	v3 =	vlaneseq.u32;
	v6 =	vimm.s32 $0xBA98FEDC;
	v7 =	vimm.s32 $0x32107654;
	s10 =	simm.s32 $0x0;
	s21 =	sadd.s32 $0xA000, s8;
	[dreg:$0x7] =	wrdreg s20  }
0xe: {  	v4 =	vunpack.c.l.s4.s8 v4;
	s9 =	sshrl.u32 s16, $0x1;
	v2 =	vunpack.c.0.s8.s32 v2;
	v1 =	vunpack.c.0.s8.s32 v1;
	s22 =	sadd.s32 $0xC000, s8;
	[dreg:$0x8] =	wrdreg s21  }
0xf: {  	vm0 =	vmmov $0xffff;
	v5 =	vunpack.c.l.s4.s8 v5;
	v6 =	vunpack.c.l.s4.s8 v6;
	s4 =	sadd.s32 s6, s4;
	s23 =	sadd.s32 $0xE000, s8;
	[dreg:$0x9] =	wrdreg s22  }
0x10: {  	s6 =	sadd.s32 $0x15400, s0;
	v8 =	vcombine.low v1, v2;
	v1 =	vunpack.c.0.s8.s32 v4;
	v2 =	vunpack.c.l.s4.s8 v7;
	s24 =	sadd.s32 $0x10000, s8;
	[dreg:$0xa] =	wrdreg s23  }
0x11: {  	s4 =	sshrl.u32 s4, $0x3;
	s25 =	sadd.s32 $0x12000, s8;
	v4 =	vunpack.c.0.s8.s32 v5;
	v5 =	vunpack.c.0.s8.s32 v6;
	v6 =	vimm.s32 $0xFEDCBA98;
	[dreg:$0xb] =	wrdreg s24  }
0x12: {  	v7 =	vimm.s32 $0x76543210;
	s0 =	sadd.s32 s4, s0;
	s4 =	ssub.s32 s16, s9;
	[dreg:$0xc] =	wrdreg s25;
	v6 =	vunpack.c.l.s4.s8 v6;
	v2 =	vunpack.c.0.s8.s32 v2  }
0x13: {  	v0 =	vimm.f32 $0.0e+00;
	s18 =	smul.u32 $0x5000, s3;
	s21 =	simm.s32 $0x100;
	s22 =	simm.s32 $0x3;
	v9 =	vcombine.low v4, v1;
	v4 =	vunpack.c.l.s4.s8 v7  }
0x14: {  	s23 =	simm.s32 $0x80;
	s24 =	simm.s32 $0x2;
	s25 =	simm.s32 $0x40;
	v1 =	vand.u32 $0x7, v3;
	v7 =	vcombine.low v2, v5;
	v5 =	vunpack.c.0.s8.s32 v6  }
0x15: {  	s3 =	simm.s32 $0x5100;
	s9 =	simm.s32 $0x1;
	s0 =	sadd.s32 $0x8D400, s0;
	v2 =	vshrl.u32 v3, $0x3;
	v10 =	vunpack.c.0.s8.s32 v4;
	v3 =	vor.u32 $0x8, v3  }
0x16: {  	s26 =	smax.u32 s4, $0x1;
	s4 =	simm.s32 $0x5900;
	[dreg:$0xd] =	wrdreg s0;
	v4 =	vand.u32 $0xF, v8;
	v2 =	vmul.u32 $0x8, v2;
	v8 =	vand.u32 $0xF, v5  }
0x17: {  	[dreg:$0xe] =	wrdreg s26;
	s26 =	simm.s32 $0x2100;
	s0 =	simm.s32 $0x4900;
	v5 =	vand.u32 $0xF, v9;
	v6 =	vand.u32 $0xF, v7;
	v7 =	vcombine.low v8, v10  }
.LBB2_1:
0x18: {  	s12 =	simm.s32 $0x0  }
0x19: {  	s11 =	sand.u32 $0x7E00, s12  }
0x1a: {  	s12 =	sand.u32 $0x70, s12;
	s13 =	sshrl.u32 s11, $0x2  }
0x1b: {  	s11 =	simm.s32 $0x40;
	s13 =	sor.u32 s12, s13;
	s12 =	simm.s32 $0x0  }
.LBB2_2:
0x1c: {  	p0 =	sne.s32 s11, $0x7FC0  }
0x1d: {  	[tilespmem:s13+$0x100] =	vst v0;
	s12 =	sadd.s32 $0x10, s12;
	s13 =	smov.u32 s11;
	s11 =	sadd.s32 $0x40, s11  }
.Ltmp0:
0x1e: {  	(pc) =	sbr.rel @p0 .LBB2_2-.Ltmp0, $4  }
0x1f: {  	_ = 	snop  }
0x20: {  	s13 =	sand.u32 $0x7E00, s13  }
0x21: {  	s14 =	sand.u32 $0x70, s12;
	s13 =	sshrl.u32 s13, $0x2  }
0x22: {  	s13 =	sor.u32 s14, s13  }
0x23: {  	[tilespmem:s13+$0x100] =	vst v0  }
0x24: {  	[spmem:s8] =	stream.linear.scatter [tilespmem:s21], [sflag:$0x3], $0x2000, $0x38;
	[tilespmem:$0x1A100] =	vst v63  }
0x25: {  	_ =	swait.ge [sflag:s22], $0x2000  }
0x26: {  	[sflag:s22] =	ssyncset.done $0x0  }
0x27: {  	s11 =	rddreg [dreg:$0x4];
	[sflag:s22] =	ssyncadd.s32 $0xFFFFE000  }
0x28: {  	[spmem:s11] =	stream.linear.scatter [tilespmem:s21], [sflag:$0x3], $0x2000, $0x38;
	[tilespmem:$0x1A100] =	vst v63  }
0x29: {  	_ =	swait.ge [sflag:s22], $0x2000  }
0x2a: {  	[sflag:s22] =	ssyncset.done $0x0  }
0x2b: {  	s12 =	rddreg [dreg:$0x5];
	[sflag:s22] =	ssyncadd.s32 $0xFFFFE000  }
0x2c: {  	[spmem:s12] =	stream.linear.scatter [tilespmem:s21], [sflag:$0x3], $0x2000, $0x38;
	[tilespmem:$0x1A100] =	vst v63  }
0x2d: {  	_ =	swait.ge [sflag:s22], $0x2000  }
0x2e: {  	[sflag:s22] =	ssyncset.done $0x0  }
0x2f: {  	s13 =	rddreg [dreg:$0x6];
	[sflag:s22] =	ssyncadd.s32 $0xFFFFE000  }
0x30: {  	[spmem:s13] =	stream.linear.scatter [tilespmem:s21], [sflag:$0x3], $0x2000, $0x38;
	[tilespmem:$0x1A100] =	vst v63  }
0x31: {  	_ =	swait.ge [sflag:s22], $0x2000  }
0x32: {  	[sflag:s22] =	ssyncset.done $0x0  }
0x33: {  	s14 =	rddreg [dreg:$0x7];
	[sflag:s22] =	ssyncadd.s32 $0xFFFFE000  }
0x34: {  	[spmem:s14] =	stream.linear.scatter [tilespmem:s21], [sflag:$0x3], $0x2000, $0x38;
	[tilespmem:$0x1A100] =	vst v63  }
0x35: {  	_ =	swait.ge [sflag:s22], $0x2000  }
0x36: {  	[sflag:s22] =	ssyncset.done $0x0  }
0x37: {  	s15 =	rddreg [dreg:$0x8];
	[sflag:s22] =	ssyncadd.s32 $0xFFFFE000  }
0x38: {  	[spmem:s15] =	stream.linear.scatter [tilespmem:s21], [sflag:$0x3], $0x2000, $0x38;
	[tilespmem:$0x1A100] =	vst v63  }
0x39: {  	_ =	swait.ge [sflag:s22], $0x2000  }
0x3a: {  	[sflag:s22] =	ssyncset.done $0x0  }
0x3b: {  	s16 =	rddreg [dreg:$0x9];
	[sflag:s22] =	ssyncadd.s32 $0xFFFFE000  }
0x3c: {  	[spmem:s16] =	stream.linear.scatter [tilespmem:s21], [sflag:$0x3], $0x2000, $0x38;
	[tilespmem:$0x1A100] =	vst v63  }
0x3d: {  	_ =	swait.ge [sflag:s22], $0x2000  }
0x3e: {  	[sflag:s22] =	ssyncset.done $0x0  }
0x3f: {  	s17 =	rddreg [dreg:$0xa];
	[sflag:s22] =	ssyncadd.s32 $0xFFFFE000  }
0x40: {  	[spmem:s17] =	stream.linear.scatter [tilespmem:s21], [sflag:$0x3], $0x2000, $0x38;
	[tilespmem:$0x1A100] =	vst v63  }
0x41: {  	_ =	swait.ge [sflag:s22], $0x2000  }
0x42: {  	[sflag:s22] =	ssyncset.done $0x0  }
0x43: {  	s19 =	rddreg [dreg:$0xb];
	[sflag:s22] =	ssyncadd.s32 $0xFFFFE000  }
0x44: {  	[spmem:s19] =	stream.linear.scatter [tilespmem:s21], [sflag:$0x3], $0x2000, $0x38;
	[tilespmem:$0x1A100] =	vst v63  }
0x45: {  	_ =	swait.ge [sflag:s22], $0x2000  }
0x46: {  	[sflag:s22] =	ssyncset.done $0x0  }
0x47: {  	s20 =	rddreg [dreg:$0xc];
	[sflag:s22] =	ssyncadd.s32 $0xFFFFE000  }
0x48: {  	[spmem:s20] =	stream.linear.scatter [tilespmem:s21], [sflag:$0x3], $0x2000, $0x38;
	[tilespmem:$0x1A100] =	vst v63  }
0x49: {  	_ =	swait.ge [sflag:s22], $0x2000  }
0x4a: {  	[sflag:s22] =	ssyncset.done $0x0  }
0x4b: {  	[sflag:s22] =	ssyncadd.s32 $0xFFFFE000  }
0x4c: {  	s11 =	simm.s32 $0x0;
	s12 =	simm.s32 $0x0;
	[bflag:$0x0] =	sbarrier.arrive $0xFFFF  }
.LBB2_4:
0x4d: {  	s13 =	sshll.u32 s12, $0x7  }
0x4e: {  	s14 =	sand.u32 $0x7C00, s13  }
0x4f: {  	s13 =	sand.u32 $0x380, s13;
	s14 =	sadd.s32 s18, s14  }
0x50: {  	s13 =	sor.u32 s13, s14  }
0x51: {  	s13 =	sshrl.u32 s13, $0x3  }
0x52: {  	s17 =	sadd.s32 s1, s13  }
0x53: {  	[tilespmem:s11], [sflag:$0x2] =	stream.linear.gather [hbm4b:s17+s11], $0x80, $0x38;
	[tilespmem:$0x1A100] =	vst v63  }
0x54: {  	s13 =	sadd.s32 s7, s13  }
0x55: {  	[tilespmem:s23], [sflag:$0x2] =	stream.linear.gather [hbm4b:s13+s11], $0x80, $0x38;
	[tilespmem:$0x1A100] =	vst v63  }
0x56: {  	_ =	swait.ge [sflag:s24], $0x80  }
0x57: {  	[sflag:s24] =	ssyncset.done $0x0  }
0x58: {  	[sflag:s24] =	ssyncadd.s32 $0xFFFFFF80  }
0x59: {  	_ =	swait.ge [sflag:s24], $0x80  }
0x5a: {  	[sflag:s24] =	ssyncset.done $0x0  }
0x5b: {  	[sflag:s24] =	ssyncadd.s32 $0xFFFFFF80  }
0x5c: {  	[tilespmem:s21], [sflag:$0x1] =	stream.indirect.gather [hbm4b:s5+s25], $0x80, s23, s25, $0xb8;
	[tilespmem:$0x1A100] =	vst v63  }
0x5d: {  	v8 =	vld [tilespmem:$0x0];
	_ =	sdelay $0x4  }
0x5e: {  	v9 =	vshll.u32 v8, $0x1  }
0x5f: {  	v8 =	vand.u32 $0x7, v8;
	v9 =	vand.u32 $0xFFFFFFF0, v9  }
0x60: {  	v8 =	vor.u32 v8, v9  }
0x61: {  	v9 =	vperm.xlane v8, v1;
	_ =	sdelay $0x1  }
0x62: {  	v8 =	vperm.xlane v8, v3;
	v9 =	vadd.s32 v2, v9;
	_ =	sdelay $0x1  }
0x63: {  	v8 =	vadd.s32 v2, v8;
	_ =	sdelay $0x2  }
0x64: {  	[tilespmem:s26], [sflag:$0x1] =	stream.indirect_vreg.gather [hbm4b:s6+s11], $0x80, v9, vm0, $0xb8;
	[tilespmem:$0x1A100] =	vst v63  }
0x65: {  	_ = 	snop  }
0x66: {  	[tilespmem:s28], [sflag:$0x1] =	stream.indirect_vreg.gather [hbm4b:s6+s11], $0x80, v8, vm0, $0xb8;
	[tilespmem:$0x1A100] =	vst v63  }
0x67: {  	v8 =	vld [tilespmem:$0x10];
	_ =	sdelay $0x4  }
0x68: {  	v9 =	vshll.u32 v8, $0x1  }
0x69: {  	v8 =	vand.u32 $0x7, v8;
	v9 =	vand.u32 $0xFFFFFFF0, v9  }
0x6a: {  	v8 =	vor.u32 v8, v9  }
0x6b: {  	v9 =	vperm.xlane v8, v1;
	_ =	sdelay $0x1  }
0x6c: {  	v8 =	vperm.xlane v8, v3;
	v9 =	vadd.s32 v2, v9;
	_ =	sdelay $0x1  }
0x6d: {  	v8 =	vadd.s32 v2, v8;
	_ =	sdelay $0x2  }
0x6e: {  	[tilespmem:s29], [sflag:$0x1] =	stream.indirect_vreg.gather [hbm4b:s6+s11], $0x80, v9, vm0, $0xb8;
	[tilespmem:$0x1A100] =	vst v63  }
0x6f: {  	_ = 	snop  }
0x70: {  	[tilespmem:s30], [sflag:$0x1] =	stream.indirect_vreg.gather [hbm4b:s6+s11], $0x80, v8, vm0, $0xb8;
	[tilespmem:$0x1A100] =	vst v63  }
0x71: {  	v8 =	vld [tilespmem:$0x20];
	_ =	sdelay $0x4  }
0x72: {  	v9 =	vshll.u32 v8, $0x1  }
0x73: {  	v8 =	vand.u32 $0x7, v8;
	v9 =	vand.u32 $0xFFFFFFF0, v9  }
0x74: {  	v8 =	vor.u32 v8, v9  }
0x75: {  	v9 =	vperm.xlane v8, v1;
	_ =	sdelay $0x1  }
0x76: {  	v8 =	vperm.xlane v8, v3;
	v9 =	vadd.s32 v2, v9;
	_ =	sdelay $0x1  }
0x77: {  	v8 =	vadd.s32 v2, v8;
	_ =	sdelay $0x2  }
0x78: {  	[tilespmem:s31], [sflag:$0x1] =	stream.indirect_vreg.gather [hbm4b:s6+s11], $0x80, v9, vm0, $0xb8;
	[tilespmem:$0x1A100] =	vst v63  }
0x79: {  	_ = 	snop  }
0x7a: {  	[tilespmem:s0], [sflag:$0x1] =	stream.indirect_vreg.gather [hbm4b:s6+s11], $0x80, v8, vm0, $0xb8;
	[tilespmem:$0x1A100] =	vst v63  }
0x7b: {  	v8 =	vld [tilespmem:$0x30];
	_ =	sdelay $0x4  }
0x7c: {  	v9 =	vshll.u32 v8, $0x1  }
0x7d: {  	v8 =	vand.u32 $0x7, v8;
	v9 =	vand.u32 $0xFFFFFFF0, v9  }
0x7e: {  	v8 =	vor.u32 v8, v9  }
0x7f: {  	v9 =	vperm.xlane v8, v1;
	_ =	sdelay $0x1  }
0x80: {  	v8 =	vperm.xlane v8, v3;
	v9 =	vadd.s32 v2, v9;
	_ =	sdelay $0x1  }
0x81: {  	v8 =	vadd.s32 v2, v8;
	_ =	sdelay $0x2  }
0x82: {  	[tilespmem:s3], [sflag:$0x1] =	stream.indirect_vreg.gather [hbm4b:s6+s11], $0x80, v9, vm0, $0xb8;
	[tilespmem:$0x1A100] =	vst v63  }
0x83: {  	_ = 	snop  }
0x84: {  	[tilespmem:s4], [sflag:$0x1] =	stream.indirect_vreg.gather [hbm4b:s6+s11], $0x80, v8, vm0, $0xb8;
	[tilespmem:$0x1A100] =	vst v63  }
0x85: {  	_ =	swait.ge [sflag:s9], $0x2000  }
0x86: {  	[sflag:s9] =	ssyncset.done $0x0  }
0x87: {  	[sflag:s9] =	ssyncadd.s32 $0xFFFFE000  }
0x88: {  	_ =	swait.ge [sflag:s9], $0x4000  }
0x89: {  	s19 =	sand.u32 $0x3800, s11;
	s15 =	sand.u32 $0x300, s11;
	[sflag:s9] =	ssyncset.done $0x0  }
0x8a: {  	s14 =	sadd.s32 $0x2100, s19;
	s13 =	simm.s32 $0x180;
	[sflag:s9] =	ssyncadd.s32 $0xFFFFC000  }
0x8b: {  	s15 =	sadd.s32 s15, s14;
	v8 =	vld [tilespmem:s13+$0xFFFFFF80]  }
0x8c: {  	v9 =	vld [tilespmem:s15+$0x0]  }
0x8d: {  	v10 =	vld [tilespmem:s13+$0xFFFFFF90]  }
0x8e: {  	v11 =	vld [tilespmem:s15+$0x10]  }
0x8f: {  	v12 =	vld [tilespmem:s13+$0xFFFFFFA0]  }
0x90: {  	v13 =	vld [tilespmem:s15+$0x20]  }
0x91: {  	v14 =	vld [tilespmem:s15+$0x30];
	v8 =	vmul.f32 v9, v8  }
0x92: {  	v9 =	vld [tilespmem:s13+$0xFFFFFFB0]  }
0x93: {  	v15 =	vld [tilespmem:s15+$0x40];
	v10 =	vmul.f32 v11, v10;
	v8 =	vadd.f32 $0.0e+00, v8  }
0x94: {  	v11 =	vld [tilespmem:s13+$0xFFFFFFC0]  }
0x95: {  	v52 =	vld [tilespmem:s13+$0xFFFFFFD0];
	v8 =	vadd.f32 v10, v8;
	v10 =	vmul.f32 v13, v12  }
0x96: {  	v53 =	vld [tilespmem:s15+$0x50]  }
0x97: {  	v54 =	vld [tilespmem:s15+$0x60];
	v9 =	vmul.f32 v14, v9;
	v8 =	vadd.f32 v10, v8  }
0x98: {  	v10 =	vld [tilespmem:s13+$0xFFFFFFE0]  }
0x99: {  	v55 =	vld [tilespmem:s15+$0x70];
	v8 =	vadd.f32 v9, v8;
	v9 =	vmul.f32 v15, v11  }
0x9a: {  	v11 =	vld [tilespmem:s13+$0xFFFFFFF0]  }
0x9b: {  	v8 =	vadd.f32 v9, v8;
	v9 =	vmul.f32 v53, v52;
	_ =	sdelay $0x1  }
0x9c: {  	v8 =	vadd.f32 v9, v8;
	v9 =	vmul.f32 v54, v10;
	_ =	sdelay $0x1  }
0x9d: {  	v8 =	vadd.f32 v9, v8;
	v9 =	vmul.f32 v55, v11;
	_ =	sdelay $0x1  }
0x9e: {  	v8 =	vadd.f32 v9, v8;
	_ =	sdelay $0x1  }
0x9f: {  	v9 =	vperm.xlane v8, v4;
	_ =	sdelay $0x1  }
0xa0: {  	v8 =	vadd.f32 v8, v9;
	_ =	sdelay $0x1  }
0xa1: {  	v9 =	vperm.xlane v8, v5;
	_ =	sdelay $0x1  }
0xa2: {  	v8 =	vadd.f32 v8, v9;
	_ =	sdelay $0x1  }
0xa3: {  	v9 =	vperm.xlane v8, v6;
	_ =	sdelay $0x1  }
0xa4: {  	v8 =	vadd.f32 v8, v9;
	_ =	sdelay $0x1  }
0xa5: {  	v9 =	vperm.xlane v8, v7;
	_ =	sdelay $0x1  }
0xa6: {  	v8 =	vadd.f32 v8, v9;
	_ =	sdelay $0x1  }
0xa7: {  	v8 =	vsub.f32 $0.0e+00, v8;
	_ =	sdelay $0x1  }
0xa8: {  	v8 =	vmul.f32 $1.442695020e+00, v8;
	_ =	sdelay $0x1  }
0xa9: {  	(erf) = vpow2.f32 v8;
	_ =	sdelay $0x8  }
0xaa: {  	v8 =	vpop (erf)  }
0xab: {  	v8 =	vadd.f32 $1.000000000e+00, v8;
	_ =	sdelay $0x1  }
0xac: {  	(erf) = vrcp.f32 v8;
	_ =	sdelay $0x4  }
0xad: {  	v8 =	vld [tilespmem:s15+$0x400];
	_ =	sdelay $0x3  }
0xae: {  	v9 =	vpop (erf)  }
0xaf: {  	v8 =	vmul.f32 v9, v8;
	_ =	sdelay $0x1  }
0xb0: {  	[tilespmem:s13+$0xFFFFFF80] =	vst v8  }
0xb1: {  	v8 =	vld [tilespmem:s15+$0x410];
	_ =	sdelay $0x4  }
0xb2: {  	v8 =	vmul.f32 v9, v8;
	_ =	sdelay $0x1  }
0xb3: {  	[tilespmem:s13+$0xFFFFFF90] =	vst v8  }
0xb4: {  	v8 =	vld [tilespmem:s15+$0x420];
	_ =	sdelay $0x4  }
0xb5: {  	v8 =	vmul.f32 v9, v8;
	_ =	sdelay $0x1  }
0xb6: {  	[tilespmem:s13+$0xFFFFFFA0] =	vst v8  }
0xb7: {  	v8 =	vld [tilespmem:s15+$0x430];
	_ =	sdelay $0x4  }
0xb8: {  	v8 =	vmul.f32 v8, v9;
	_ =	sdelay $0x1  }
0xb9: {  	[tilespmem:s13+$0xFFFFFFB0] =	vst v8  }
0xba: {  	v8 =	vld [tilespmem:s15+$0x440];
	_ =	sdelay $0x4  }
0xbb: {  	v8 =	vmul.f32 v8, v9;
	_ =	sdelay $0x1  }
0xbc: {  	[tilespmem:s13+$0xFFFFFFC0] =	vst v8  }
0xbd: {  	v8 =	vld [tilespmem:s15+$0x450];
	_ =	sdelay $0x4  }
0xbe: {  	v8 =	vmul.f32 v8, v9;
	_ =	sdelay $0x1  }
0xbf: {  	[tilespmem:s13+$0xFFFFFFD0] =	vst v8  }
0xc0: {  	v8 =	vld [tilespmem:s15+$0x460];
	_ =	sdelay $0x4  }
0xc1: {  	v8 =	vmul.f32 v8, v9;
	_ =	sdelay $0x1  }
0xc2: {  	[tilespmem:s13+$0xFFFFFFE0] =	vst v8  }
0xc3: {  	v8 =	vld [tilespmem:s15+$0x470];
	_ =	sdelay $0x4  }
0xc4: {  	s20 =	simm.s32 $0x80;
	v8 =	vmul.f32 v8, v9  }
0xc5: {  	s15 =	sand.u32 $0x380, s20  }
0xc6: {  	s15 =	sadd.s32 s15, s14;
	[tilespmem:s13+$0xFFFFFFF0] =	vst v8;
	v8 =	vld [tilespmem:s13+$0x0]  }
0xc7: {  	v9 =	vld [tilespmem:s15+$0x0]  }
0xc8: {  	v10 =	vld [tilespmem:s13+$0x10]  }
0xc9: {  	v11 =	vld [tilespmem:s15+$0x10]  }
0xca: {  	v56 =	vld [tilespmem:s13+$0x20]  }
0xcb: {  	v57 =	vld [tilespmem:s15+$0x20]  }
0xcc: {  	v58 =	vld [tilespmem:s15+$0x30];
	v8 =	vmul.f32 v9, v8  }
0xcd: {  	v9 =	vld [tilespmem:s13+$0x30]  }
0xce: {  	v59 =	vld [tilespmem:s15+$0x40];
	v10 =	vmul.f32 v11, v10;
	v8 =	vadd.f32 $0.0e+00, v8  }
0xcf: {  	v11 =	vld [tilespmem:s13+$0x40]  }
0xd0: {  	v60 =	vld [tilespmem:s13+$0x50];
	v8 =	vadd.f32 v10, v8;
	v10 =	vmul.f32 v57, v56  }
0xd1: {  	v61 =	vld [tilespmem:s15+$0x50]  }
0xd2: {  	v62 =	vld [tilespmem:s15+$0x60];
	v9 =	vmul.f32 v58, v9;
	v8 =	vadd.f32 v10, v8  }
0xd3: {  	v10 =	vld [tilespmem:s13+$0x60]  }
0xd4: {  	v63 =	vld [tilespmem:s15+$0x70];
	v8 =	vadd.f32 v9, v8;
	v9 =	vmul.f32 v59, v11  }
0xd5: {  	v11 =	vld [tilespmem:s13+$0x70]  }
0xd6: {  	v8 =	vadd.f32 v9, v8;
	v9 =	vmul.f32 v61, v60;
	_ =	sdelay $0x1  }
0xd7: {  	v8 =	vadd.f32 v9, v8;
	v9 =	vmul.f32 v62, v10;
	_ =	sdelay $0x1  }
0xd8: {  	v8 =	vadd.f32 v9, v8;
	v9 =	vmul.f32 v63, v11;
	_ =	sdelay $0x1  }
0xd9: {  	v8 =	vadd.f32 v9, v8;
	_ =	sdelay $0x1  }
0xda: {  	v9 =	vperm.xlane v8, v4;
	_ =	sdelay $0x1  }
0xdb: {  	v8 =	vadd.f32 v8, v9;
	_ =	sdelay $0x1  }
0xdc: {  	v9 =	vperm.xlane v8, v5;
	_ =	sdelay $0x1  }
0xdd: {  	v8 =	vadd.f32 v8, v9;
	_ =	sdelay $0x1  }
0xde: {  	v9 =	vperm.xlane v8, v6;
	_ =	sdelay $0x1  }
0xdf: {  	v8 =	vadd.f32 v8, v9;
	_ =	sdelay $0x1  }
0xe0: {  	v9 =	vperm.xlane v8, v7;
	_ =	sdelay $0x1  }
0xe1: {  	v8 =	vadd.f32 v8, v9;
	_ =	sdelay $0x1  }
0xe2: {  	v8 =	vsub.f32 $0.0e+00, v8;
	_ =	sdelay $0x1  }
0xe3: {  	v8 =	vmul.f32 $1.442695020e+00, v8;
	_ =	sdelay $0x1  }
0xe4: {  	(erf) = vpow2.f32 v8;
	_ =	sdelay $0x8  }
0xe5: {  	v8 =	vpop (erf)  }
0xe6: {  	v8 =	vadd.f32 $1.000000000e+00, v8;
	_ =	sdelay $0x1  }
0xe7: {  	(erf) = vrcp.f32 v8;
	_ =	sdelay $0x4  }
0xe8: {  	v9 =	vld [tilespmem:s15+$0x400];
	_ =	sdelay $0x3  }
0xe9: {  	v8 =	vpop (erf)  }
0xea: {  	v9 =	vmul.f32 v8, v9;
	_ =	sdelay $0x1  }
0xeb: {  	[tilespmem:s13+$0x0] =	vst v9  }
0xec: {  	v9 =	vld [tilespmem:s15+$0x410];
	_ =	sdelay $0x4  }
0xed: {  	v9 =	vmul.f32 v8, v9;
	_ =	sdelay $0x1  }
0xee: {  	[tilespmem:s13+$0x10] =	vst v9  }
0xef: {  	v9 =	vld [tilespmem:s15+$0x420];
	_ =	sdelay $0x4  }
0xf0: {  	v9 =	vmul.f32 v8, v9;
	_ =	sdelay $0x1  }
0xf1: {  	[tilespmem:s13+$0x20] =	vst v9  }
0xf2: {  	v9 =	vld [tilespmem:s15+$0x430];
	_ =	sdelay $0x4  }
0xf3: {  	v9 =	vmul.f32 v9, v8;
	_ =	sdelay $0x1  }
0xf4: {  	[tilespmem:s13+$0x30] =	vst v9  }
0xf5: {  	v9 =	vld [tilespmem:s15+$0x440];
	_ =	sdelay $0x4  }
0xf6: {  	v9 =	vmul.f32 v9, v8;
	_ =	sdelay $0x1  }
0xf7: {  	[tilespmem:s13+$0x40] =	vst v9  }
0xf8: {  	v9 =	vld [tilespmem:s15+$0x450];
	_ =	sdelay $0x4  }
0xf9: {  	v9 =	vmul.f32 v9, v8;
	_ =	sdelay $0x1  }
0xfa: {  	[tilespmem:s13+$0x50] =	vst v9  }
0xfb: {  	v9 =	vld [tilespmem:s15+$0x460];
	_ =	sdelay $0x4  }
0xfc: {  	v9 =	vmul.f32 v9, v8;
	_ =	sdelay $0x1  }
0xfd: {  	[tilespmem:s13+$0x60] =	vst v9  }
0xfe: {  	v9 =	vld [tilespmem:s15+$0x470];
	_ =	sdelay $0x2  }
0xff: {  	s16 =	simm.s32 $0x280  }
0x100: {  	s17 =	simm.s32 $0x0;
	s14 =	simm.s32 $0x0;
	s15 =	simm.s32 $0x200  }
.LBB2_5:
0x101: {  	s19 =	sand.u32 $0x3800, s15;
	s14 =	sadd.s32 $0x2, s14;
	v8 =	vmul.f32 v9, v8;
	s17 =	sadd.s32 $0x100, s17  }
0x102: {  	s20 =	sand.u32 $0x300, s17;
	s19 =	sadd.s32 $0x2100, s19;
	p0 =	slt.u32 s14, $0x3E  }
0x103: {  	v9 =	vld [tilespmem:s16+$0xFFFFFF80];
	s20 =	sadd.s32 s20, s19;
	[tilespmem:s13+$0x70] =	vst v8;
	s13 =	smov.u32 s16  }
0x104: {  	v8 =	vld [tilespmem:s20+$0x0]  }
0x105: {  	v10 =	vld [tilespmem:s16+$0xFFFFFF90]  }
0x106: {  	v11 =	vld [tilespmem:s20+$0x10]  }
0x107: {  	v12 =	vld [tilespmem:s16+$0xFFFFFFA0]  }
0x108: {  	v13 =	vld [tilespmem:s20+$0x20]  }
0x109: {  	v8 =	vmul.f32 v8, v9;
	v9 =	vld [tilespmem:s16+$0xFFFFFFB0]  }
0x10a: {  	v14 =	vld [tilespmem:s20+$0x30]  }
0x10b: {  	v8 =	vadd.f32 $0.0e+00, v8;
	v10 =	vmul.f32 v11, v10;
	v11 =	vld [tilespmem:s16+$0xFFFFFFC0]  }
0x10c: {  	v15 =	vld [tilespmem:s20+$0x40]  }
0x10d: {  	v8 =	vadd.f32 v10, v8;
	v10 =	vmul.f32 v13, v12;
	v12 =	vld [tilespmem:s16+$0xFFFFFFD0]  }
0x10e: {  	v13 =	vld [tilespmem:s20+$0x50]  }
0x10f: {  	v8 =	vadd.f32 v10, v8;
	v9 =	vmul.f32 v14, v9;
	v10 =	vld [tilespmem:s16+$0xFFFFFFE0]  }
0x110: {  	v14 =	vld [tilespmem:s20+$0x60]  }
0x111: {  	v8 =	vadd.f32 v9, v8;
	v9 =	vmul.f32 v15, v11;
	v11 =	vld [tilespmem:s16+$0xFFFFFFF0]  }
0x112: {  	v15 =	vld [tilespmem:s20+$0x70]  }
0x113: {  	v8 =	vadd.f32 v9, v8;
	v9 =	vmul.f32 v13, v12;
	_ =	sdelay $0x1  }
0x114: {  	v8 =	vadd.f32 v9, v8;
	v9 =	vmul.f32 v14, v10;
	_ =	sdelay $0x1  }
0x115: {  	v8 =	vadd.f32 v9, v8;
	v9 =	vmul.f32 v15, v11;
	_ =	sdelay $0x1  }
0x116: {  	v8 =	vadd.f32 v9, v8;
	_ =	sdelay $0x1  }
0x117: {  	v9 =	vperm.xlane v8, v4;
	_ =	sdelay $0x1  }
0x118: {  	v8 =	vadd.f32 v8, v9;
	_ =	sdelay $0x1  }
0x119: {  	v9 =	vperm.xlane v8, v5;
	_ =	sdelay $0x1  }
0x11a: {  	v8 =	vadd.f32 v8, v9;
	_ =	sdelay $0x1  }
0x11b: {  	v9 =	vperm.xlane v8, v6;
	_ =	sdelay $0x1  }
0x11c: {  	v8 =	vadd.f32 v8, v9;
	_ =	sdelay $0x1  }
0x11d: {  	v9 =	vperm.xlane v8, v7;
	_ =	sdelay $0x1  }
0x11e: {  	v8 =	vadd.f32 v8, v9;
	_ =	sdelay $0x1  }
0x11f: {  	v8 =	vsub.f32 $0.0e+00, v8;
	_ =	sdelay $0x1  }
0x120: {  	v8 =	vmul.f32 $1.442695020e+00, v8;
	_ =	sdelay $0x1  }
0x121: {  	(erf) = vpow2.f32 v8;
	_ =	sdelay $0x8  }
0x122: {  	v8 =	vpop (erf)  }
0x123: {  	v8 =	vadd.f32 $1.000000000e+00, v8;
	_ =	sdelay $0x1  }
0x124: {  	(erf) = vrcp.f32 v8;
	_ =	sdelay $0x4  }
0x125: {  	v8 =	vld [tilespmem:s20+$0x400];
	_ =	sdelay $0x3  }
0x126: {  	v9 =	vpop (erf)  }
0x127: {  	v8 =	vmul.f32 v9, v8;
	_ =	sdelay $0x1  }
0x128: {  	[tilespmem:s16+$0xFFFFFF80] =	vst v8  }
0x129: {  	v8 =	vld [tilespmem:s20+$0x410];
	_ =	sdelay $0x4  }
0x12a: {  	v8 =	vmul.f32 v9, v8;
	_ =	sdelay $0x1  }
0x12b: {  	[tilespmem:s16+$0xFFFFFF90] =	vst v8  }
0x12c: {  	v8 =	vld [tilespmem:s20+$0x420];
	_ =	sdelay $0x4  }
0x12d: {  	v8 =	vmul.f32 v9, v8;
	_ =	sdelay $0x1  }
0x12e: {  	[tilespmem:s16+$0xFFFFFFA0] =	vst v8  }
0x12f: {  	v8 =	vld [tilespmem:s20+$0x430];
	_ =	sdelay $0x4  }
0x130: {  	v8 =	vmul.f32 v8, v9;
	_ =	sdelay $0x1  }
0x131: {  	[tilespmem:s16+$0xFFFFFFB0] =	vst v8  }
0x132: {  	v8 =	vld [tilespmem:s20+$0x440];
	_ =	sdelay $0x4  }
0x133: {  	v8 =	vmul.f32 v8, v9;
	_ =	sdelay $0x1  }
0x134: {  	[tilespmem:s16+$0xFFFFFFC0] =	vst v8  }
0x135: {  	v8 =	vld [tilespmem:s20+$0x450];
	_ =	sdelay $0x4  }
0x136: {  	v8 =	vmul.f32 v8, v9;
	_ =	sdelay $0x1  }
0x137: {  	[tilespmem:s16+$0xFFFFFFD0] =	vst v8  }
0x138: {  	v8 =	vld [tilespmem:s20+$0x460];
	_ =	sdelay $0x4  }
0x139: {  	v8 =	vmul.f32 v8, v9;
	_ =	sdelay $0x1  }
0x13a: {  	[tilespmem:s16+$0xFFFFFFE0] =	vst v8  }
0x13b: {  	v8 =	vld [tilespmem:s20+$0x470];
	_ =	sdelay $0x4  }
0x13c: {  	s20 =	sadd.s32 $0x80, s17;
	v8 =	vmul.f32 v8, v9  }
0x13d: {  	s20 =	sand.u32 $0x380, s20  }
0x13e: {  	s19 =	sadd.s32 s20, s19;
	[tilespmem:s16+$0xFFFFFFF0] =	vst v8;
	v8 =	vld [tilespmem:s16+$0x0]  }
0x13f: {  	v9 =	vld [tilespmem:s19+$0x0]  }
0x140: {  	v10 =	vld [tilespmem:s16+$0x10]  }
0x141: {  	v11 =	vld [tilespmem:s19+$0x10]  }
0x142: {  	v12 =	vld [tilespmem:s16+$0x20]  }
0x143: {  	v13 =	vld [tilespmem:s19+$0x20]  }
0x144: {  	v8 =	vmul.f32 v9, v8;
	v9 =	vld [tilespmem:s16+$0x30]  }
0x145: {  	v14 =	vld [tilespmem:s19+$0x30]  }
0x146: {  	v8 =	vadd.f32 $0.0e+00, v8;
	v10 =	vmul.f32 v11, v10;
	v11 =	vld [tilespmem:s16+$0x40]  }
0x147: {  	v15 =	vld [tilespmem:s19+$0x40]  }
0x148: {  	v8 =	vadd.f32 v10, v8;
	v10 =	vmul.f32 v13, v12;
	v12 =	vld [tilespmem:s16+$0x50]  }
0x149: {  	v13 =	vld [tilespmem:s19+$0x50]  }
0x14a: {  	v8 =	vadd.f32 v10, v8;
	v9 =	vmul.f32 v14, v9;
	v10 =	vld [tilespmem:s16+$0x60]  }
0x14b: {  	v14 =	vld [tilespmem:s19+$0x60]  }
0x14c: {  	v8 =	vadd.f32 v9, v8;
	v9 =	vmul.f32 v15, v11;
	v11 =	vld [tilespmem:s16+$0x70]  }
0x14d: {  	v15 =	vld [tilespmem:s19+$0x70]  }
0x14e: {  	v8 =	vadd.f32 v9, v8;
	v9 =	vmul.f32 v13, v12;
	_ =	sdelay $0x1  }
0x14f: {  	v8 =	vadd.f32 v9, v8;
	v9 =	vmul.f32 v14, v10;
	_ =	sdelay $0x1  }
0x150: {  	v8 =	vadd.f32 v9, v8;
	v9 =	vmul.f32 v15, v11;
	_ =	sdelay $0x1  }
0x151: {  	v8 =	vadd.f32 v9, v8;
	_ =	sdelay $0x1  }
0x152: {  	v9 =	vperm.xlane v8, v4;
	_ =	sdelay $0x1  }
0x153: {  	v8 =	vadd.f32 v8, v9;
	_ =	sdelay $0x1  }
0x154: {  	v9 =	vperm.xlane v8, v5;
	_ =	sdelay $0x1  }
0x155: {  	v8 =	vadd.f32 v8, v9;
	_ =	sdelay $0x1  }
0x156: {  	v9 =	vperm.xlane v8, v6;
	_ =	sdelay $0x1  }
0x157: {  	v8 =	vadd.f32 v8, v9;
	_ =	sdelay $0x1  }
0x158: {  	v9 =	vperm.xlane v8, v7;
	_ =	sdelay $0x1  }
0x159: {  	v8 =	vadd.f32 v8, v9;
	_ =	sdelay $0x1  }
0x15a: {  	v8 =	vsub.f32 $0.0e+00, v8;
	_ =	sdelay $0x1  }
0x15b: {  	v8 =	vmul.f32 $1.442695020e+00, v8;
	_ =	sdelay $0x1  }
0x15c: {  	(erf) = vpow2.f32 v8;
	_ =	sdelay $0x8  }
0x15d: {  	v8 =	vpop (erf)  }
0x15e: {  	v8 =	vadd.f32 $1.000000000e+00, v8;
	_ =	sdelay $0x1  }
0x15f: {  	(erf) = vrcp.f32 v8;
	_ =	sdelay $0x4  }
0x160: {  	v9 =	vld [tilespmem:s19+$0x400];
	_ =	sdelay $0x3  }
0x161: {  	v8 =	vpop (erf)  }
0x162: {  	v9 =	vmul.f32 v8, v9;
	_ =	sdelay $0x1  }
0x163: {  	[tilespmem:s16+$0x0] =	vst v9  }
0x164: {  	v9 =	vld [tilespmem:s19+$0x410];
	_ =	sdelay $0x4  }
0x165: {  	v9 =	vmul.f32 v8, v9;
	_ =	sdelay $0x1  }
0x166: {  	[tilespmem:s16+$0x10] =	vst v9  }
0x167: {  	v9 =	vld [tilespmem:s19+$0x420];
	_ =	sdelay $0x4  }
0x168: {  	v9 =	vmul.f32 v8, v9;
	_ =	sdelay $0x1  }
0x169: {  	[tilespmem:s16+$0x20] =	vst v9  }
0x16a: {  	v9 =	vld [tilespmem:s19+$0x430];
	_ =	sdelay $0x4  }
0x16b: {  	v9 =	vmul.f32 v9, v8;
	_ =	sdelay $0x1  }
0x16c: {  	[tilespmem:s16+$0x30] =	vst v9  }
0x16d: {  	v9 =	vld [tilespmem:s19+$0x440];
	_ =	sdelay $0x4  }
0x16e: {  	v9 =	vmul.f32 v9, v8;
	_ =	sdelay $0x1  }
0x16f: {  	[tilespmem:s16+$0x40] =	vst v9  }
0x170: {  	v9 =	vld [tilespmem:s19+$0x450];
	_ =	sdelay $0x4  }
0x171: {  	v9 =	vmul.f32 v9, v8;
	_ =	sdelay $0x1  }
0x172: {  	[tilespmem:s16+$0x50] =	vst v9  }
0x173: {  	v9 =	vld [tilespmem:s19+$0x460];
	_ =	sdelay $0x4  }
0x174: {  	v9 =	vmul.f32 v9, v8;
	_ =	sdelay $0x1  }
0x175: {  	[tilespmem:s16+$0x60] =	vst v9  }
.Ltmp1:
0x176: {  	v9 =	vld [tilespmem:s19+$0x470];
	(pc) =	sbr.rel @p0 .LBB2_5-.Ltmp1, $2  }
0x177: {  	_ =	sdelay $0x2  }
0x178: {  	s15 =	sadd.s32 $0x200, s15;
	s16 =	sadd.s32 $0x100, s16  }
0x179: {  	v8 =	vmul.f32 v9, v8;
	s12 =	sadd.s32 $0x1, s12  }
0x17a: {  	p0 =	sne.s32 s12, $0x9D  }
.Ltmp2:
0x17b: {  	[tilespmem:s13+$0x70] =	vst v8;
	(pc) =	sbr.rel @p0 .LBB2_4-.Ltmp2, $4  }
0x17c: {  	[spmem:s2] =	stream.indirect.scatter.add.f32 [tilespmem:s21], [sflag:$0x3], $0x80, s23, s25, $0xb8;
	[tilespmem:$0x1A100] =	vst v63  }
0x17d: {  	_ =	swait.ge [sflag:s22], $0x2000  }
0x17e: {  	[sflag:s22] =	ssyncset.done $0x0  }
0x17f: {  	[sflag:s22] =	ssyncadd.s32 $0xFFFFE000  }
0x180: {  	s11 =	stileid.u32  }
0x181: {  	[bflag:$0x0] =	sbarrier.arrive $0xFFFF;
	s11 =	sshll.u32 s11, $0x6  }
0x182: {  	s12 =	sshrl.u32 s8, $0x3;
	s13 =	rddreg [dreg:$0xd];
	s11 =	sor.u32 $0x1C03, s11  }
0x183: {  	[hbm:s13], [sflag:s11] =	dma.local [spmem:s12], $0x2800  }
0x184: {  	_ =	swait.ge [sflag:s22], $0x2800  }
0x185: {  	s10 =	sadd.s32 $0x1, s10;
	s20 =	rddreg [dreg:$0xe]  }
0x186: {  	p0 =	sne.s32 s10, s20  }
.Ltmp3:
0x187: {  	_ = 	snop;
	(pc) =	sbr.rel @p0 .LBB2_1-.Ltmp3, $3  }
0x188: {  	_ =	sdelay $0x1  }
0x189: {  	[sflag:s22] =	ssyncset.done $0x0  }
0x18a: {  	[sflag:s22] =	ssyncadd.s32 $0xFFFFD800  }
0x18b: {  	_ =	sfence.sel $0x180000  }
0x18c: {  	[bflag:$0x0] =	sbarrier.arrive $0xFFFF  }
0x18d: {  	_ =	strace $0x90000047  }
0x18e: {  	s0 =	stileid.u32;
	[bflag:$0x2] =	sbarrier.arrive $0xFFFF  }
0x18f: {  	p0 =	sne.s32 s0, $0x0;
	s0 =	rddreg [dreg:$0x3]  }
0x190: {  	s0 =	sadd.s32 @!p0 $0x100000, s0  }
0x191: {  	[sflag:s0] =	ssyncadd.tile.s32 @!p0 $0x1;
	_ =	shalt  }
.Lfunc_end2:
_tile_overlayer_lowered:
.L_overlay_start_2:
0x192: {  	(tag) =	ssettag $0x2  }
0x193: {  	s0 =	rddreg [dreg:$0x0];
	s2 =	stileid.u32  }
0x194: {  	s1 =	rddreg [dreg:$0x1];
	p0 =	sne.s32 s2, $0x0  }
0x195: {  	s3 =	rddreg [dreg:$0x2];
	[bflag:$0x3] =	sbarrier.arrive $0xFFFF;
	s2 =	simm.s32 @!p0 $0x1C03  }
0x196: {  	[timem:s3], [sflag:s2] =	dma.local @!p0 [hbm:s0], s1  }
0x197: {  	s0 =	simm.s32 @!p0 $0x3  }
0x198: {  	_ =	swait.ge @!p0 [sflag:s0], s1  }
0x199: {  	s1 =	ssub.s32 @!p0 $0x0, s1;
	[sflag:s0] =	ssyncset.done @!p0 $0x0  }
0x19a: {  	[sflag:s0] =	ssyncadd.s32 @!p0 s1  }
0x19b: {  	[bflag:$0x3] =	sbarrier.arrive $0xFFFF  }
0x19c: {  	_ =	shalt  }

</sc_bundles>
